<compile_context>
chip_gen: v7x
topology: tpu7x:2x2x1
jax: 0.10.2.dev20260603
libtpu: 0.0.44.dev20260713+nightly
codegen_flags: <defaults>
</compile_context>

<pallas_src>
import functools

import jax
import jax.numpy as jnp
from jax import lax
from jax.experimental import pallas as pl
from jax.experimental.pallas import tpu as pltpu
from jax.experimental.pallas import tpu_sc as plsc

D = 128
C = 256
NW = 32
T_ROWS = 60


def _encoder_body(n_edges, ea0_hbm, ea1_hbm, ea2_hbm, w0_hbm, w1_hbm, w2_hbm,
                  out_hbm, a0_v, a1_v, a2_v, out_v, w0_v, w1_v, w2_v, t_v,
                  sem_in0, sem_in1, sem_out0, sem_out1):
    num_chunks = n_edges // C
    wid = lax.axis_index("s") * 2 + lax.axis_index("c")
    sems_in = (sem_in0, sem_in1)
    sems_out = (sem_out0, sem_out1)

    pltpu.sync_copy(w0_hbm, w0_v)
    pltpu.sync_copy(w1_hbm, w1_v)
    pltpu.sync_copy(w2_hbm, w2_v)

    def build(c60, carry):
        i0 = c60 // 12
        r = c60 - i0 * 12
        i1 = r // 2
        i2 = r - i1 * 2
        tb = pl.multiple_of(c60 * D, D)
        b0 = pl.multiple_of(i0 * D, D)
        b1 = pl.multiple_of(i1 * D, D)
        b2 = pl.multiple_of(i2 * D, D)
        for j in range(D // 16):
            o = j * 16
            t_v[pl.ds(tb + o, 16)] = (w0_v[pl.ds(b0 + o, 16)]
                                      + w1_v[pl.ds(b1 + o, 16)]
                                      + w2_v[pl.ds(b2 + o, 16)])
        return carry

    lax.fori_loop(0, T_ROWS, build, 0)

    iota = lax.iota(jnp.int32, 16)
    nw = (num_chunks - wid + NW - 1) // NW

    def issue_in(k, b):
        base = (wid + k * NW) * C
        pltpu.async_copy(ea0_hbm.at[pl.ds(base, C)],
                         a0_v.at[pl.ds(b * C, C)], sems_in[b])
        pltpu.async_copy(ea1_hbm.at[pl.ds(base, C)],
                         a1_v.at[pl.ds(b * C, C)], sems_in[b])
        pltpu.async_copy(ea2_hbm.at[pl.ds(base, C)],
                         a2_v.at[pl.ds(b * C, C)], sems_in[b])

    def drain_in(b):
        for a_v in (a0_v, a1_v, a2_v):
            pltpu.make_async_copy(ea0_hbm.at[pl.ds(0, C)],
                                  a_v.at[pl.ds(b * C, C)], sems_in[b]).wait()

    def drain_out(b):
        pltpu.make_async_copy(out_v.at[pl.ds(b * C, C)],
                              out_hbm.at[pl.ds(0, C)], sems_out[b]).wait()

    @pl.when(nw > 0)
    def _prime():
        issue_in(0, 0)

    def pair_body(h, carry):
        for b in (0, 1):
            k = 2 * h + b

            @pl.when(k < nw)
            def _chunk():
                base = (wid + k * NW) * C
                drain_in(b)

                @pl.when(k + 1 < nw)
                def _prefetch():
                    issue_in(k + 1, 1 - b)

                @pl.when(k >= 2)
                def _reclaim():
                    drain_out(b)

                rb = b * C

                @plsc.parallel_loop(0, C // 16)
                def group(g):
                    row = g * 16 + iota
                    e16 = pl.multiple_of(rb + g * 16, 16)
                    a0 = a0_v[pl.ds(e16, 16)]
                    a1 = a1_v[pl.ds(e16, 16)]
                    a2 = a2_v[pl.ds(e16, 16)]
                    a0 = jnp.minimum(jnp.maximum(a0, 0), 4)
                    a1 = jnp.minimum(jnp.maximum(a1, 0), 5)
                    a2 = jnp.minimum(jnp.maximum(a2, 0), 1)
                    c = a0 * 12 + a1 * 2 + a2
                    tb = c * D

                    @plsc.parallel_loop(0, D, unroll=8)
                    def jloop(j):
                        col = (iota + j) & (D - 1)
                        v = plsc.load_gather(t_v, [tb + col])
                        plsc.store_scatter(out_v, [rb + row, col], v)

                pltpu.async_copy(out_v.at[pl.ds(rb, C)],
                                 out_hbm.at[pl.ds(base, C)], sems_out[b])
        return carry

    lax.fori_loop(0, (nw + 1) // 2, pair_body, 0)

    @pl.when(nw > 0)
    def _tail0():
        drain_out(0)

    @pl.when(nw > 1)
    def _tail1():
        drain_out(1)


def kernel(edge_attr, W_bond_type, W_bond_stereo, W_is_conjugated):
    n_edges = edge_attr.shape[0]
    mesh = plsc.VectorSubcoreMesh(core_axis_name="c", subcore_axis_name="s")
    enc = functools.partial(
        pl.kernel,
        mesh=mesh,
        compiler_params=pltpu.CompilerParams(needs_layout_passes=False),
        out_type=jax.ShapeDtypeStruct((n_edges, D), jnp.float32),
        scratch_types=[
            pltpu.VMEM((2 * C,), jnp.int32),
            pltpu.VMEM((2 * C,), jnp.int32),
            pltpu.VMEM((2 * C,), jnp.int32),
            pltpu.VMEM((2 * C, D), jnp.float32),
            pltpu.VMEM((5 * D,), jnp.float32),
            pltpu.VMEM((6 * D,), jnp.float32),
            pltpu.VMEM((2 * D,), jnp.float32),
            pltpu.VMEM((T_ROWS * D,), jnp.float32),
            pltpu.SemaphoreType.DMA,
            pltpu.SemaphoreType.DMA,
            pltpu.SemaphoreType.DMA,
            pltpu.SemaphoreType.DMA,
        ],
    )(functools.partial(_encoder_body, n_edges))
    return enc(edge_attr[:, 0], edge_attr[:, 1], edge_attr[:, 2],
               W_bond_type.reshape(-1),
               W_bond_stereo.reshape(-1),
               W_is_conjugated.reshape(-1))

# --- scband reference (transcript-rebuilt; emitter-appended) ---
"""Pipeline reference for scband-edge-encoder-78417512891249 (READ-ONLY COPY).

The authoritative reference and input builder live on the scoring server;
editing this copy changes nothing except your own understanding.
"""

import jax, jax.numpy as jnp
import numpy as np

E_MAP_SIZES = {"bond_type": 5, "bond_stereo": 6, "is_conjugated": 2}
HIDDEN_DIM = 128
N_EDGES = 320000


def setup_inputs(seed: int = 0) -> dict:
    key = jax.random.key(seed)
    k_idx, k0, k1, k2 = jax.random.split(key, 4)
    edge_attr = jax.random.randint(k_idx, (N_EDGES, len(E_MAP_SIZES)), 0, 5, dtype=jnp.int32)
    W_bond_type = jax.random.normal(k0, (E_MAP_SIZES["bond_type"], HIDDEN_DIM), dtype=jnp.float32)
    W_bond_stereo = jax.random.normal(k1, (E_MAP_SIZES["bond_stereo"], HIDDEN_DIM), dtype=jnp.float32)
    W_is_conjugated = jax.random.normal(k2, (E_MAP_SIZES["is_conjugated"], HIDDEN_DIM), dtype=jnp.float32)
    return {
        "edge_attr": edge_attr,
        "W_bond_type": W_bond_type,
        "W_bond_stereo": W_bond_stereo,
        "W_is_conjugated": W_is_conjugated,
    }


def reference(edge_attr, W_bond_type, W_bond_stereo, W_is_conjugated):
    # EdgeEncoder.forward: sum of per-feature embedding lookups with clamp
    tables = [W_bond_type, W_bond_stereo, W_is_conjugated]
    h = jnp.zeros((edge_attr.shape[0], tables[0].shape[1]), dtype=jnp.float32)
    for i, W in enumerate(tables):
        idx = jnp.clip(edge_attr[:, i], 0, W.shape[0] - 1)
        h = h + jnp.take(W, idx, axis=0)
    return h

if __name__ == "__main__":
    import jax
    _d = setup_inputs()
    print(jax.jit(kernel)(*tuple(_d.values())))

</pallas_src>

<mosaic_0001>
#map = affine_map<(d0, d1) -> (0)>
#map1 = affine_map<(d0, d1) -> (0, 0)>
module attributes {stable_mosaic.version = 14 : i64} {
  func.func @_encoder_body(%arg0: i32, %arg1: i32, %arg2: memref<320000xi32, #tpu.memory_space<hbm>>, %arg3: memref<320000xi32, #tpu.memory_space<hbm>>, %arg4: memref<320000xi32, #tpu.memory_space<hbm>>, %arg5: memref<640xf32, #tpu.memory_space<hbm>>, %arg6: memref<768xf32, #tpu.memory_space<hbm>>, %arg7: memref<256xf32, #tpu.memory_space<hbm>>, %arg8: memref<320000x128xf32, #tpu.memory_space<hbm>>, %arg9: memref<512xi32, #tpu.memory_space<vmem>>, %arg10: memref<512xi32, #tpu.memory_space<vmem>>, %arg11: memref<512xi32, #tpu.memory_space<vmem>>, %arg12: memref<512x128xf32, #tpu.memory_space<vmem>>, %arg13: memref<640xf32, #tpu.memory_space<vmem>>, %arg14: memref<768xf32, #tpu.memory_space<vmem>>, %arg15: memref<256xf32, #tpu.memory_space<vmem>>, %arg16: memref<7680xf32, #tpu.memory_space<vmem>>, %arg17: memref<!tpu.dma_semaphore, #tpu.memory_space<semaphore_mem>>, %arg18: memref<!tpu.dma_semaphore, #tpu.memory_space<semaphore_mem>>, %arg19: memref<!tpu.dma_semaphore, #tpu.memory_space<semaphore_mem>>, %arg20: memref<!tpu.dma_semaphore, #tpu.memory_space<semaphore_mem>>) attributes {dimension_semantics = [#tpu.dimension_semantics<core_parallel>, #tpu.dimension_semantics<subcore_parallel>], iteration_bounds = array<i64: 2, 16>, scalar_prefetch = 0 : i64, scratch_operands = 12 : i64, tpu.core_type = #tpu.core_type<sc_vector_subcore>, window_params = [{transform_indices = #map}, {transform_indices = #map}, {transform_indices = #map}, {transform_indices = #map}, {transform_indices = #map}, {transform_indices = #map}, {transform_indices = #map1}]} {
    %mul3A = arith.constant 2 : i32
    %mul3A_0 = arith.muli %arg1, %mul3A : i32
    %add3A = arith.addi %mul3A_0, %arg0 : i32
    "tpu.region"() ({
      %run_scoped3A = tpu.sem_alloc : memref<!tpu.dma_semaphore, #tpu.memory_space<semaphore_mem>>
      tpu.enqueue_dma source(%arg5 : memref<640xf32, #tpu.memory_space<hbm>>) target(%arg13 : memref<640xf32, #tpu.memory_space<vmem>>) target_semaphore(%run_scoped3A : memref<!tpu.dma_semaphore, #tpu.memory_space<semaphore_mem>>)
      tpu.wait_dma2 semaphore(%run_scoped3A : memref<!tpu.dma_semaphore, #tpu.memory_space<semaphore_mem>>) src(%arg5 : memref<640xf32, #tpu.memory_space<hbm>>) dst(%arg13 : memref<640xf32, #tpu.memory_space<vmem>>)
      tpu.yield
    }) : () -> ()
    "tpu.region"() ({
      %run_scoped3A = tpu.sem_alloc : memref<!tpu.dma_semaphore, #tpu.memory_space<semaphore_mem>>
      tpu.enqueue_dma source(%arg6 : memref<768xf32, #tpu.memory_space<hbm>>) target(%arg14 : memref<768xf32, #tpu.memory_space<vmem>>) target_semaphore(%run_scoped3A : memref<!tpu.dma_semaphore, #tpu.memory_space<semaphore_mem>>)
      tpu.wait_dma2 semaphore(%run_scoped3A : memref<!tpu.dma_semaphore, #tpu.memory_space<semaphore_mem>>) src(%arg6 : memref<768xf32, #tpu.memory_space<hbm>>) dst(%arg14 : memref<768xf32, #tpu.memory_space<vmem>>)
      tpu.yield
    }) : () -> ()
    "tpu.region"() ({
      %run_scoped3A = tpu.sem_alloc : memref<!tpu.dma_semaphore, #tpu.memory_space<semaphore_mem>>
      tpu.enqueue_dma source(%arg7 : memref<256xf32, #tpu.memory_space<hbm>>) target(%arg15 : memref<256xf32, #tpu.memory_space<vmem>>) target_semaphore(%run_scoped3A : memref<!tpu.dma_semaphore, #tpu.memory_space<semaphore_mem>>)
      tpu.wait_dma2 semaphore(%run_scoped3A : memref<!tpu.dma_semaphore, #tpu.memory_space<semaphore_mem>>) src(%arg7 : memref<256xf32, #tpu.memory_space<hbm>>) dst(%arg15 : memref<256xf32, #tpu.memory_space<vmem>>)
      tpu.yield
    }) : () -> ()
    %scan3A = arith.constant 0 : i32
    %scan3A_1 = arith.constant 0 : i32
    %scan3A_2 = arith.constant 60 : i32
    %scan3A_3 = arith.addi %scan3A_1, %scan3A_2 : i32
    %scan3A_4 = arith.constant 1 : i32
    scf.for %scan3A_75 = %scan3A_1 to %scan3A_3 step %scan3A_4  : i32 {
      %jit3A_76 = arith.constant 12 : i32
      %div3A_77 = arith.divsi %scan3A_75, %jit3A_76 : i32
      %sign3A_78 = arith.constant 0 : i32
      %sign3A_79 = arith.cmpi sgt, %scan3A_75, %sign3A_78 : i32
      %sign3A_80 = arith.extui %sign3A_79 : i1 to i32
      %sign3A_81 = arith.constant 0 : i32
      %sign3A_82 = arith.cmpi slt, %scan3A_75, %sign3A_81 : i32
      %sign3A_83 = arith.extui %sign3A_82 : i1 to i32
      %sign3A_84 = arith.subi %sign3A_80, %sign3A_83 : i32
      %sign3A_85 = arith.constant 0 : i32
      %sign3A_86 = arith.cmpi sgt, %jit3A_76, %sign3A_85 : i32
      %sign3A_87 = arith.extui %sign3A_86 : i1 to i32
      %sign3A_88 = arith.constant 0 : i32
      %sign3A_89 = arith.cmpi slt, %jit3A_76, %sign3A_88 : i32
      %sign3A_90 = arith.extui %sign3A_89 : i1 to i32
      %sign3A_91 = arith.subi %sign3A_87, %sign3A_90 : i32
      %ne3A_92 = arith.cmpi ne, %sign3A_84, %sign3A_91 : i32
      %rem3A_93 = arith.remsi %scan3A_75, %jit3A_76 : i32
      %ne3A_94 = arith.constant 0 : i32
      %ne3A_95 = arith.cmpi ne, %rem3A_93, %ne3A_94 : i32
      %and3A_96 = arith.andi %ne3A_92, %ne3A_95 : i1
      %sub3A_97 = arith.constant 1 : i32
      %sub3A_98 = arith.subi %div3A_77, %sub3A_97 : i32
      %select_n3A_99 = arith.select %and3A_96, %sub3A_98, %div3A_77 : i32
      %mul3A_100 = arith.constant 12 : i32
      %mul3A_101 = arith.muli %select_n3A_99, %mul3A_100 : i32
      %sub3A_102 = arith.subi %scan3A_75, %mul3A_101 : i32
      %jit3A_103 = arith.constant 2 : i32
      %div3A_104 = arith.divsi %sub3A_102, %jit3A_103 : i32
      %sign3A_105 = arith.constant 0 : i32
      %sign3A_106 = arith.cmpi sgt, %sub3A_102, %sign3A_105 : i32
      %sign3A_107 = arith.extui %sign3A_106 : i1 to i32
      %sign3A_108 = arith.constant 0 : i32
      %sign3A_109 = arith.cmpi slt, %sub3A_102, %sign3A_108 : i32
      %sign3A_110 = arith.extui %sign3A_109 : i1 to i32
      %sign3A_111 = arith.subi %sign3A_107, %sign3A_110 : i32
      %sign3A_112 = arith.constant 0 : i32
      %sign3A_113 = arith.cmpi sgt, %jit3A_103, %sign3A_112 : i32
      %sign3A_114 = arith.extui %sign3A_113 : i1 to i32
      %sign3A_115 = arith.constant 0 : i32
      %sign3A_116 = arith.cmpi slt, %jit3A_103, %sign3A_115 : i32
      %sign3A_117 = arith.extui %sign3A_116 : i1 to i32
      %sign3A_118 = arith.subi %sign3A_114, %sign3A_117 : i32
      %ne3A_119 = arith.cmpi ne, %sign3A_111, %sign3A_118 : i32
      %rem3A_120 = arith.remsi %sub3A_102, %jit3A_103 : i32
      %ne3A_121 = arith.constant 0 : i32
      %ne3A_122 = arith.cmpi ne, %rem3A_120, %ne3A_121 : i32
      %and3A_123 = arith.andi %ne3A_119, %ne3A_122 : i1
      %sub3A_124 = arith.constant 1 : i32
      %sub3A_125 = arith.subi %div3A_104, %sub3A_124 : i32
      %select_n3A_126 = arith.select %and3A_123, %sub3A_125, %div3A_104 : i32
      %mul3A_127 = arith.constant 2 : i32
      %mul3A_128 = arith.muli %select_n3A_126, %mul3A_127 : i32
      %sub3A_129 = arith.subi %sub3A_102, %mul3A_128 : i32
      %mul3A_130 = arith.constant 128 : i32
      %mul3A_131 = arith.muli %scan3A_75, %mul3A_130 : i32
      %multiple_of3A = tpu.assume_multiple %mul3A_131, 128 : i32
      %mul3A_132 = arith.constant 128 : i32
      %mul3A_133 = arith.muli %select_n3A_99, %mul3A_132 : i32
      %multiple_of3A_134 = tpu.assume_multiple %mul3A_133, 128 : i32
      %mul3A_135 = arith.constant 128 : i32
      %mul3A_136 = arith.muli %select_n3A_126, %mul3A_135 : i32
      %multiple_of3A_137 = tpu.assume_multiple %mul3A_136, 128 : i32
      %mul3A_138 = arith.constant 128 : i32
      %mul3A_139 = arith.muli %sub3A_129, %mul3A_138 : i32
      %multiple_of3A_140 = tpu.assume_multiple %mul3A_139, 128 : i32
      %add3A_141 = arith.constant 0 : i32
      %add3A_142 = arith.addi %multiple_of3A_134, %add3A_141 : i32
      %get3A = arith.index_cast %add3A_142 : i32 to index
      %get3A_143 = tpu.vector_load %arg13[%get3A] {strides = array<i32>} : memref<640xf32, #tpu.memory_space<vmem>>, vector<16xf32>,
      %add3A_144 = arith.constant 0 : i32
      %add3A_145 = arith.addi %multiple_of3A_137, %add3A_144 : i32
      %get3A_146 = arith.index_cast %add3A_145 : i32 to index
      %get3A_147 = tpu.vector_load %arg14[%get3A_146] {strides = array<i32>} : memref<768xf32, #tpu.memory_space<vmem>>, vector<16xf32>,
      %add3A_148 = arith.addf %get3A_143, %get3A_147 : vector<16xf32>
      %add3A_149 = arith.constant 0 : i32
      %add3A_150 = arith.addi %multiple_of3A_140, %add3A_149 : i32
      %get3A_151 = arith.index_cast %add3A_150 : i32 to index
      %get3A_152 = tpu.vector_load %arg15[%get3A_151] {strides = array<i32>} : memref<256xf32, #tpu.memory_space<vmem>>, vector<16xf32>,
      %add3A_153 = arith.addf %add3A_148, %get3A_152 : vector<16xf32>
      %add3A_154 = arith.constant 0 : i32
      %add3A_155 = arith.addi %multiple_of3A, %add3A_154 : i32
      %swap3A = arith.index_cast %add3A_155 : i32 to index
      %swap3A_156 = tpu.vector_load %arg16[%swap3A] {strides = array<i32>} : memref<7680xf32, #tpu.memory_space<vmem>>, vector<16xf32>,
      tpu.vector_store %arg16[%swap3A], %add3A_153 {strides = array<i32>} : memref<7680xf32, #tpu.memory_space<vmem>>, vector<16xf32>,
      %add3A_157 = arith.constant 16 : i32
      %add3A_158 = arith.addi %multiple_of3A_134, %add3A_157 : i32
      %get3A_159 = arith.index_cast %add3A_158 : i32 to index
      %get3A_160 = tpu.vector_load %arg13[%get3A_159] {strides = array<i32>} : memref<640xf32, #tpu.memory_space<vmem>>, vector<16xf32>,
      %add3A_161 = arith.constant 16 : i32
      %add3A_162 = arith.addi %multiple_of3A_137, %add3A_161 : i32
      %get3A_163 = arith.index_cast %add3A_162 : i32 to index
      %get3A_164 = tpu.vector_load %arg14[%get3A_163] {strides = array<i32>} : memref<768xf32, #tpu.memory_space<vmem>>, vector<16xf32>,
      %add3A_165 = arith.addf %get3A_160, %get3A_164 : vector<16xf32>
      %add3A_166 = arith.constant 16 : i32
      %add3A_167 = arith.addi %multiple_of3A_140, %add3A_166 : i32
      %get3A_168 = arith.index_cast %add3A_167 : i32 to index
      %get3A_169 = tpu.vector_load %arg15[%get3A_168] {strides = array<i32>} : memref<256xf32, #tpu.memory_space<vmem>>, vector<16xf32>,
      %add3A_170 = arith.addf %add3A_165, %get3A_169 : vector<16xf32>
      %add3A_171 = arith.constant 16 : i32
      %add3A_172 = arith.addi %multiple_of3A, %add3A_171 : i32
      %swap3A_173 = arith.index_cast %add3A_172 : i32 to index
      %swap3A_174 = tpu.vector_load %arg16[%swap3A_173] {strides = array<i32>} : memref<7680xf32, #tpu.memory_space<vmem>>, vector<16xf32>,
      tpu.vector_store %arg16[%swap3A_173], %add3A_170 {strides = array<i32>} : memref<7680xf32, #tpu.memory_space<vmem>>, vector<16xf32>,
      %add3A_175 = arith.constant 32 : i32
      %add3A_176 = arith.addi %multiple_of3A_134, %add3A_175 : i32
      %get3A_177 = arith.index_cast %add3A_176 : i32 to index
      %get3A_178 = tpu.vector_load %arg13[%get3A_177] {strides = array<i32>} : memref<640xf32, #tpu.memory_space<vmem>>, vector<16xf32>,
      %add3A_179 = arith.constant 32 : i32
      %add3A_180 = arith.addi %multiple_of3A_137, %add3A_179 : i32
      %get3A_181 = arith.index_cast %add3A_180 : i32 to index
      %get3A_182 = tpu.vector_load %arg14[%get3A_181] {strides = array<i32>} : memref<768xf32, #tpu.memory_space<vmem>>, vector<16xf32>,
      %add3A_183 = arith.addf %get3A_178, %get3A_182 : vector<16xf32>
      %add3A_184 = arith.constant 32 : i32
      %add3A_185 = arith.addi %multiple_of3A_140, %add3A_184 : i32
      %get3A_186 = arith.index_cast %add3A_185 : i32 to index
      %get3A_187 = tpu.vector_load %arg15[%get3A_186] {strides = array<i32>} : memref<256xf32, #tpu.memory_space<vmem>>, vector<16xf32>,
      %add3A_188 = arith.addf %add3A_183, %get3A_187 : vector<16xf32>
      %add3A_189 = arith.constant 32 : i32
      %add3A_190 = arith.addi %multiple_of3A, %add3A_189 : i32
      %swap3A_191 = arith.index_cast %add3A_190 : i32 to index
      %swap3A_192 = tpu.vector_load %arg16[%swap3A_191] {strides = array<i32>} : memref<7680xf32, #tpu.memory_space<vmem>>, vector<16xf32>,
      tpu.vector_store %arg16[%swap3A_191], %add3A_188 {strides = array<i32>} : memref<7680xf32, #tpu.memory_space<vmem>>, vector<16xf32>,
      %add3A_193 = arith.constant 48 : i32
      %add3A_194 = arith.addi %multiple_of3A_134, %add3A_193 : i32
      %get3A_195 = arith.index_cast %add3A_194 : i32 to index
      %get3A_196 = tpu.vector_load %arg13[%get3A_195] {strides = array<i32>} : memref<640xf32, #tpu.memory_space<vmem>>, vector<16xf32>,
      %add3A_197 = arith.constant 48 : i32
      %add3A_198 = arith.addi %multiple_of3A_137, %add3A_197 : i32
      %get3A_199 = arith.index_cast %add3A_198 : i32 to index
      %get3A_200 = tpu.vector_load %arg14[%get3A_199] {strides = array<i32>} : memref<768xf32, #tpu.memory_space<vmem>>, vector<16xf32>,
      %add3A_201 = arith.addf %get3A_196, %get3A_200 : vector<16xf32>
      %add3A_202 = arith.constant 48 : i32
      %add3A_203 = arith.addi %multiple_of3A_140, %add3A_202 : i32
      %get3A_204 = arith.index_cast %add3A_203 : i32 to index
      %get3A_205 = tpu.vector_load %arg15[%get3A_204] {strides = array<i32>} : memref<256xf32, #tpu.memory_space<vmem>>, vector<16xf32>,
      %add3A_206 = arith.addf %add3A_201, %get3A_205 : vector<16xf32>
      %add3A_207 = arith.constant 48 : i32
      %add3A_208 = arith.addi %multiple_of3A, %add3A_207 : i32
      %swap3A_209 = arith.index_cast %add3A_208 : i32 to index
      %swap3A_210 = tpu.vector_load %arg16[%swap3A_209] {strides = array<i32>} : memref<7680xf32, #tpu.memory_space<vmem>>, vector<16xf32>,
      tpu.vector_store %arg16[%swap3A_209], %add3A_206 {strides = array<i32>} : memref<7680xf32, #tpu.memory_space<vmem>>, vector<16xf32>,
      %add3A_211 = arith.constant 64 : i32
      %add3A_212 = arith.addi %multiple_of3A_134, %add3A_211 : i32
      %get3A_213 = arith.index_cast %add3A_212 : i32 to index
      %get3A_214 = tpu.vector_load %arg13[%get3A_213] {strides = array<i32>} : memref<640xf32, #tpu.memory_space<vmem>>, vector<16xf32>,
      %add3A_215 = arith.constant 64 : i32
      %add3A_216 = arith.addi %multiple_of3A_137, %add3A_215 : i32
      %get3A_217 = arith.index_cast %add3A_216 : i32 to index
      %get3A_218 = tpu.vector_load %arg14[%get3A_217] {strides = array<i32>} : memref<768xf32, #tpu.memory_space<vmem>>, vector<16xf32>,
      %add3A_219 = arith.addf %get3A_214, %get3A_218 : vector<16xf32>
      %add3A_220 = arith.constant 64 : i32
      %add3A_221 = arith.addi %multiple_of3A_140, %add3A_220 : i32
      %get3A_222 = arith.index_cast %add3A_221 : i32 to index
      %get3A_223 = tpu.vector_load %arg15[%get3A_222] {strides = array<i32>} : memref<256xf32, #tpu.memory_space<vmem>>, vector<16xf32>,
      %add3A_224 = arith.addf %add3A_219, %get3A_223 : vector<16xf32>
      %add3A_225 = arith.constant 64 : i32
      %add3A_226 = arith.addi %multiple_of3A, %add3A_225 : i32
      %swap3A_227 = arith.index_cast %add3A_226 : i32 to index
      %swap3A_228 = tpu.vector_load %arg16[%swap3A_227] {strides = array<i32>} : memref<7680xf32, #tpu.memory_space<vmem>>, vector<16xf32>,
      tpu.vector_store %arg16[%swap3A_227], %add3A_224 {strides = array<i32>} : memref<7680xf32, #tpu.memory_space<vmem>>, vector<16xf32>,
      %add3A_229 = arith.constant 80 : i32
      %add3A_230 = arith.addi %multiple_of3A_134, %add3A_229 : i32
      %get3A_231 = arith.index_cast %add3A_230 : i32 to index
      %get3A_232 = tpu.vector_load %arg13[%get3A_231] {strides = array<i32>} : memref<640xf32, #tpu.memory_space<vmem>>, vector<16xf32>,
      %add3A_233 = arith.constant 80 : i32
      %add3A_234 = arith.addi %multiple_of3A_137, %add3A_233 : i32
      %get3A_235 = arith.index_cast %add3A_234 : i32 to index
      %get3A_236 = tpu.vector_load %arg14[%get3A_235] {strides = array<i32>} : memref<768xf32, #tpu.memory_space<vmem>>, vector<16xf32>,
      %add3A_237 = arith.addf %get3A_232, %get3A_236 : vector<16xf32>
      %add3A_238 = arith.constant 80 : i32
      %add3A_239 = arith.addi %multiple_of3A_140, %add3A_238 : i32
      %get3A_240 = arith.index_cast %add3A_239 : i32 to index
      %get3A_241 = tpu.vector_load %arg15[%get3A_240] {strides = array<i32>} : memref<256xf32, #tpu.memory_space<vmem>>, vector<16xf32>,
      %add3A_242 = arith.addf %add3A_237, %get3A_241 : vector<16xf32>
      %add3A_243 = arith.constant 80 : i32
      %add3A_244 = arith.addi %multiple_of3A, %add3A_243 : i32
      %swap3A_245 = arith.index_cast %add3A_244 : i32 to index
      %swap3A_246 = tpu.vector_load %arg16[%swap3A_245] {strides = array<i32>} : memref<7680xf32, #tpu.memory_space<vmem>>, vector<16xf32>,
      tpu.vector_store %arg16[%swap3A_245], %add3A_242 {strides = array<i32>} : memref<7680xf32, #tpu.memory_space<vmem>>, vector<16xf32>,
      %add3A_247 = arith.constant 96 : i32
      %add3A_248 = arith.addi %multiple_of3A_134, %add3A_247 : i32
      %get3A_249 = arith.index_cast %add3A_248 : i32 to index
      %get3A_250 = tpu.vector_load %arg13[%get3A_249] {strides = array<i32>} : memref<640xf32, #tpu.memory_space<vmem>>, vector<16xf32>,
      %add3A_251 = arith.constant 96 : i32
      %add3A_252 = arith.addi %multiple_of3A_137, %add3A_251 : i32
      %get3A_253 = arith.index_cast %add3A_252 : i32 to index
      %get3A_254 = tpu.vector_load %arg14[%get3A_253] {strides = array<i32>} : memref<768xf32, #tpu.memory_space<vmem>>, vector<16xf32>,
      %add3A_255 = arith.addf %get3A_250, %get3A_254 : vector<16xf32>
      %add3A_256 = arith.constant 96 : i32
      %add3A_257 = arith.addi %multiple_of3A_140, %add3A_256 : i32
      %get3A_258 = arith.index_cast %add3A_257 : i32 to index
      %get3A_259 = tpu.vector_load %arg15[%get3A_258] {strides = array<i32>} : memref<256xf32, #tpu.memory_space<vmem>>, vector<16xf32>,
      %add3A_260 = arith.addf %add3A_255, %get3A_259 : vector<16xf32>
      %add3A_261 = arith.constant 96 : i32
      %add3A_262 = arith.addi %multiple_of3A, %add3A_261 : i32
      %swap3A_263 = arith.index_cast %add3A_262 : i32 to index
      %swap3A_264 = tpu.vector_load %arg16[%swap3A_263] {strides = array<i32>} : memref<7680xf32, #tpu.memory_space<vmem>>, vector<16xf32>,
      tpu.vector_store %arg16[%swap3A_263], %add3A_260 {strides = array<i32>} : memref<7680xf32, #tpu.memory_space<vmem>>, vector<16xf32>,
      %add3A_265 = arith.constant 112 : i32
      %add3A_266 = arith.addi %multiple_of3A_134, %add3A_265 : i32
      %get3A_267 = arith.index_cast %add3A_266 : i32 to index
      %get3A_268 = tpu.vector_load %arg13[%get3A_267] {strides = array<i32>} : memref<640xf32, #tpu.memory_space<vmem>>, vector<16xf32>,
      %add3A_269 = arith.constant 112 : i32
      %add3A_270 = arith.addi %multiple_of3A_137, %add3A_269 : i32
      %get3A_271 = arith.index_cast %add3A_270 : i32 to index
      %get3A_272 = tpu.vector_load %arg14[%get3A_271] {strides = array<i32>} : memref<768xf32, #tpu.memory_space<vmem>>, vector<16xf32>,
      %add3A_273 = arith.addf %get3A_268, %get3A_272 : vector<16xf32>
      %add3A_274 = arith.constant 112 : i32
      %add3A_275 = arith.addi %multiple_of3A_140, %add3A_274 : i32
      %get3A_276 = arith.index_cast %add3A_275 : i32 to index
      %get3A_277 = tpu.vector_load %arg15[%get3A_276] {strides = array<i32>} : memref<256xf32, #tpu.memory_space<vmem>>, vector<16xf32>,
      %add3A_278 = arith.addf %add3A_273, %get3A_277 : vector<16xf32>
      %add3A_279 = arith.constant 112 : i32
      %add3A_280 = arith.addi %multiple_of3A, %add3A_279 : i32
      %swap3A_281 = arith.index_cast %add3A_280 : i32 to index
      %swap3A_282 = tpu.vector_load %arg16[%swap3A_281] {strides = array<i32>} : memref<7680xf32, #tpu.memory_space<vmem>>, vector<16xf32>,
      tpu.vector_store %arg16[%swap3A_281], %add3A_278 {strides = array<i32>} : memref<7680xf32, #tpu.memory_space<vmem>>, vector<16xf32>,
    }
    %scan3A_5 = arith.constant 60 : i32
    %iota3A = tpu.iota {dimensions = array<i32: 0>} : vector<16xi32>
    %sub3A = arith.constant 1250 : i32
    %sub3A_6 = arith.subi %sub3A, %add3A : i32
    %add3A_7 = arith.constant 32 : i32
    %add3A_8 = arith.addi %sub3A_6, %add3A_7 : i32
    %sub3A_9 = arith.constant 1 : i32
    %sub3A_10 = arith.subi %add3A_8, %sub3A_9 : i32
    %jit3A = arith.constant 32 : i32
    %div3A = arith.divsi %sub3A_10, %jit3A : i32
    %sign3A = arith.constant 0 : i32
    %sign3A_11 = arith.cmpi sgt, %sub3A_10, %sign3A : i32
    %sign3A_12 = arith.extui %sign3A_11 : i1 to i32
    %sign3A_13 = arith.constant 0 : i32
    %sign3A_14 = arith.cmpi slt, %sub3A_10, %sign3A_13 : i32
    %sign3A_15 = arith.extui %sign3A_14 : i1 to i32
    %sign3A_16 = arith.subi %sign3A_12, %sign3A_15 : i32
    %sign3A_17 = arith.constant 0 : i32
    %sign3A_18 = arith.cmpi sgt, %jit3A, %sign3A_17 : i32
    %sign3A_19 = arith.extui %sign3A_18 : i1 to i32
    %sign3A_20 = arith.constant 0 : i32
    %sign3A_21 = arith.cmpi slt, %jit3A, %sign3A_20 : i32
    %sign3A_22 = arith.extui %sign3A_21 : i1 to i32
    %sign3A_23 = arith.subi %sign3A_19, %sign3A_22 : i32
    %ne3A = arith.cmpi ne, %sign3A_16, %sign3A_23 : i32
    %rem3A = arith.remsi %sub3A_10, %jit3A : i32
    %ne3A_24 = arith.constant 0 : i32
    %ne3A_25 = arith.cmpi ne, %rem3A, %ne3A_24 : i32
    %and3A = arith.andi %ne3A, %ne3A_25 : i1
    %sub3A_26 = arith.constant 1 : i32
    %sub3A_27 = arith.subi %div3A, %sub3A_26 : i32
    %select_n3A = arith.select %and3A, %sub3A_27, %div3A : i32
    %gt3A = arith.constant 0 : i32
    %gt3A_28 = arith.cmpi sgt, %select_n3A, %gt3A : i32
    %convert_element_type3A = arith.extui %gt3A_28 : i1 to i32
    %cond3A = arith.constant 0 : i32
    %cond3A_29 = arith.cmpi ne, %convert_element_type3A, %cond3A : i32
    scf.if %cond3A_29 {
      %add3A_75 = arith.constant 0 : i32
      %add3A_76 = arith.addi %add3A, %add3A_75 : i32
      %mul3A_77 = arith.constant 256 : i32
      %mul3A_78 = arith.muli %add3A_76, %mul3A_77 : i32
      %dma_start3A = arith.constant 0 : i32
      %dma_start3A_79 = tpu.memref_slice %arg9[%dma_start3A] : memref<512xi32, #tpu.memory_space<vmem>> -> memref<256xi32, #tpu.memory_space<vmem>>
      %dma_start3A_80 = tpu.memref_slice %arg2[%mul3A_78] : memref<320000xi32, #tpu.memory_space<hbm>> -> memref<256xi32, #tpu.memory_space<hbm>>
      %dma_start3A_81 = arith.constant 0 : i32
      %dma_start3A_82 = tpu.memref_slice %arg9[%dma_start3A_81] : memref<512xi32, #tpu.memory_space<vmem>> -> memref<256xi32, #tpu.memory_space<vmem>>
      %dma_start3A_83 = tpu.memref_slice %arg2[%mul3A_78] : memref<320000xi32, #tpu.memory_space<hbm>> -> memref<256xi32, #tpu.memory_space<hbm>>
      tpu.enqueue_dma source(%dma_start3A_83 : memref<256xi32, #tpu.memory_space<hbm>>) target(%dma_start3A_82 : memref<256xi32, #tpu.memory_space<vmem>>) target_semaphore(%arg17 : memref<!tpu.dma_semaphore, #tpu.memory_space<semaphore_mem>>)
      %dma_start3A_84 = arith.constant 0 : i32
      %dma_start3A_85 = tpu.memref_slice %arg10[%dma_start3A_84] : memref<512xi32, #tpu.memory_space<vmem>> -> memref<256xi32, #tpu.memory_space<vmem>>
      %dma_start3A_86 = tpu.memref_slice %arg3[%mul3A_78] : memref<320000xi32, #tpu.memory_space<hbm>> -> memref<256xi32, #tpu.memory_space<hbm>>
      %dma_start3A_87 = arith.constant 0 : i32
      %dma_start3A_88 = tpu.memref_slice %arg10[%dma_start3A_87] : memref<512xi32, #tpu.memory_space<vmem>> -> memref<256xi32, #tpu.memory_space<vmem>>
      %dma_start3A_89 = tpu.memref_slice %arg3[%mul3A_78] : memref<320000xi32, #tpu.memory_space<hbm>> -> memref<256xi32, #tpu.memory_space<hbm>>
      tpu.enqueue_dma source(%dma_start3A_89 : memref<256xi32, #tpu.memory_space<hbm>>) target(%dma_start3A_88 : memref<256xi32, #tpu.memory_space<vmem>>) target_semaphore(%arg17 : memref<!tpu.dma_semaphore, #tpu.memory_space<semaphore_mem>>)
      %dma_start3A_90 = arith.constant 0 : i32
      %dma_start3A_91 = tpu.memref_slice %arg11[%dma_start3A_90] : memref<512xi32, #tpu.memory_space<vmem>> -> memref<256xi32, #tpu.memory_space<vmem>>
      %dma_start3A_92 = tpu.memref_slice %arg4[%mul3A_78] : memref<320000xi32, #tpu.memory_space<hbm>> -> memref<256xi32, #tpu.memory_space<hbm>>
      %dma_start3A_93 = arith.constant 0 : i32
      %dma_start3A_94 = tpu.memref_slice %arg11[%dma_start3A_93] : memref<512xi32, #tpu.memory_space<vmem>> -> memref<256xi32, #tpu.memory_space<vmem>>
      %dma_start3A_95 = tpu.memref_slice %arg4[%mul3A_78] : memref<320000xi32, #tpu.memory_space<hbm>> -> memref<256xi32, #tpu.memory_space<hbm>>
      tpu.enqueue_dma source(%dma_start3A_95 : memref<256xi32, #tpu.memory_space<hbm>>) target(%dma_start3A_94 : memref<256xi32, #tpu.memory_space<vmem>>) target_semaphore(%arg17 : memref<!tpu.dma_semaphore, #tpu.memory_space<semaphore_mem>>)
    } else {
    }
    %add3A_30 = arith.constant 1 : i32
    %add3A_31 = arith.addi %select_n3A, %add3A_30 : i32
    %jit3A_32 = arith.constant 2 : i32
    %div3A_33 = arith.divsi %add3A_31, %jit3A_32 : i32
    %sign3A_34 = arith.constant 0 : i32
    %sign3A_35 = arith.cmpi sgt, %add3A_31, %sign3A_34 : i32
    %sign3A_36 = arith.extui %sign3A_35 : i1 to i32
    %sign3A_37 = arith.constant 0 : i32
    %sign3A_38 = arith.cmpi slt, %add3A_31, %sign3A_37 : i32
    %sign3A_39 = arith.extui %sign3A_38 : i1 to i32
    %sign3A_40 = arith.subi %sign3A_36, %sign3A_39 : i32
    %sign3A_41 = arith.constant 0 : i32
    %sign3A_42 = arith.cmpi sgt, %jit3A_32, %sign3A_41 : i32
    %sign3A_43 = arith.extui %sign3A_42 : i1 to i32
    %sign3A_44 = arith.constant 0 : i32
    %sign3A_45 = arith.cmpi slt, %jit3A_32, %sign3A_44 : i32
    %sign3A_46 = arith.extui %sign3A_45 : i1 to i32
    %sign3A_47 = arith.subi %sign3A_43, %sign3A_46 : i32
    %ne3A_48 = arith.cmpi ne, %sign3A_40, %sign3A_47 : i32
    %rem3A_49 = arith.remsi %add3A_31, %jit3A_32 : i32
    %ne3A_50 = arith.constant 0 : i32
    %ne3A_51 = arith.cmpi ne, %rem3A_49, %ne3A_50 : i32
    %and3A_52 = arith.andi %ne3A_48, %ne3A_51 : i1
    %sub3A_53 = arith.constant 1 : i32
    %sub3A_54 = arith.subi %div3A_33, %sub3A_53 : i32
    %select_n3A_55 = arith.select %and3A_52, %sub3A_54, %div3A_33 : i32
    %while3A = arith.constant 0 : i32
    %while3A_56 = arith.constant 0 : i32
    %while3A_57 = arith.subi %select_n3A_55, %while3A_56 : i32
    %while3A_58 = arith.addi %while3A_56, %while3A_57 : i32
    %while3A_59 = arith.constant 1 : i32
    %while3A_60 = arith.divsi %while3A_57, %while3A_59 : i32
    %while3A_61 = arith.muli %while3A_60, %while3A_59 : i32
    %while3A_62 = arith.addi %while3A_56, %while3A_61 : i32
    %while3A_63 = arith.constant 1 : i32
    scf.for %while3A_75 = %while3A_56 to %while3A_62 step %while3A_63  : i32 {
      %mul3A_76 = arith.constant 2 : i32
      %mul3A_77 = arith.muli %mul3A_76, %while3A_75 : i32
      %add3A_78 = arith.constant 0 : i32
      %add3A_79 = arith.addi %mul3A_77, %add3A_78 : i32
      %lt3A = arith.cmpi slt, %add3A_79, %select_n3A : i32
      %convert_element_type3A_80 = arith.extui %lt3A : i1 to i32
      %cond3A_81 = arith.constant 0 : i32
      %cond3A_82 = arith.cmpi ne, %convert_element_type3A_80, %cond3A_81 : i32
      scf.if %cond3A_82 {
        %mul3A_91 = arith.constant 32 : i32
        %mul3A_92 = arith.muli %add3A_79, %mul3A_91 : i32
        %add3A_93 = arith.addi %add3A, %mul3A_92 : i32
        %mul3A_94 = arith.constant 256 : i32
        %mul3A_95 = arith.muli %add3A_93, %mul3A_94 : i32
        %dma_wait3A = arith.constant 0 : i32
        %dma_wait3A_96 = tpu.memref_slice %arg9[%dma_wait3A] : memref<512xi32, #tpu.memory_space<vmem>> -> memref<256xi32, #tpu.memory_space<vmem>>
        %dma_wait3A_97 = arith.constant 0 : i32
        %dma_wait3A_98 = tpu.memref_slice %arg2[%dma_wait3A_97] : memref<320000xi32, #tpu.memory_space<hbm>> -> memref<256xi32, #tpu.memory_space<hbm>>
        %dma_wait3A_99 = arith.constant 0 : i32
        %dma_wait3A_100 = tpu.memref_slice %arg9[%dma_wait3A_99] : memref<512xi32, #tpu.memory_space<vmem>> -> memref<256xi32, #tpu.memory_space<vmem>>
        %dma_wait3A_101 = arith.constant 0 : i32
        %dma_wait3A_102 = tpu.memref_slice %arg2[%dma_wait3A_101] : memref<320000xi32, #tpu.memory_space<hbm>> -> memref<256xi32, #tpu.memory_space<hbm>>
        tpu.wait_dma2 semaphore(%arg17 : memref<!tpu.dma_semaphore, #tpu.memory_space<semaphore_mem>>) src(%dma_wait3A_102 : memref<256xi32, #tpu.memory_space<hbm>>) dst(%dma_wait3A_100 : memref<256xi32, #tpu.memory_space<vmem>>)
        %dma_wait3A_103 = arith.constant 0 : i32
        %dma_wait3A_104 = tpu.memref_slice %arg10[%dma_wait3A_103] : memref<512xi32, #tpu.memory_space<vmem>> -> memref<256xi32, #tpu.memory_space<vmem>>
        %dma_wait3A_105 = arith.constant 0 : i32
        %dma_wait3A_106 = tpu.memref_slice %arg2[%dma_wait3A_105] : memref<320000xi32, #tpu.memory_space<hbm>> -> memref<256xi32, #tpu.memory_space<hbm>>
        %dma_wait3A_107 = arith.constant 0 : i32
        %dma_wait3A_108 = tpu.memref_slice %arg10[%dma_wait3A_107] : memref<512xi32, #tpu.memory_space<vmem>> -> memref<256xi32, #tpu.memory_space<vmem>>
        %dma_wait3A_109 = arith.constant 0 : i32
        %dma_wait3A_110 = tpu.memref_slice %arg2[%dma_wait3A_109] : memref<320000xi32, #tpu.memory_space<hbm>> -> memref<256xi32, #tpu.memory_space<hbm>>
        tpu.wait_dma2 semaphore(%arg17 : memref<!tpu.dma_semaphore, #tpu.memory_space<semaphore_mem>>) src(%dma_wait3A_110 : memref<256xi32, #tpu.memory_space<hbm>>) dst(%dma_wait3A_108 : memref<256xi32, #tpu.memory_space<vmem>>)
        %dma_wait3A_111 = arith.constant 0 : i32
        %dma_wait3A_112 = tpu.memref_slice %arg11[%dma_wait3A_111] : memref<512xi32, #tpu.memory_space<vmem>> -> memref<256xi32, #tpu.memory_space<vmem>>
        %dma_wait3A_113 = arith.constant 0 : i32
        %dma_wait3A_114 = tpu.memref_slice %arg2[%dma_wait3A_113] : memref<320000xi32, #tpu.memory_space<hbm>> -> memref<256xi32, #tpu.memory_space<hbm>>
        %dma_wait3A_115 = arith.constant 0 : i32
        %dma_wait3A_116 = tpu.memref_slice %arg11[%dma_wait3A_115] : memref<512xi32, #tpu.memory_space<vmem>> -> memref<256xi32, #tpu.memory_space<vmem>>
        %dma_wait3A_117 = arith.constant 0 : i32
        %dma_wait3A_118 = tpu.memref_slice %arg2[%dma_wait3A_117] : memref<320000xi32, #tpu.memory_space<hbm>> -> memref<256xi32, #tpu.memory_space<hbm>>
        tpu.wait_dma2 semaphore(%arg17 : memref<!tpu.dma_semaphore, #tpu.memory_space<semaphore_mem>>) src(%dma_wait3A_118 : memref<256xi32, #tpu.memory_space<hbm>>) dst(%dma_wait3A_116 : memref<256xi32, #tpu.memory_space<vmem>>)
        %add3A_119 = arith.constant 1 : i32
        %add3A_120 = arith.addi %add3A_79, %add3A_119 : i32
        %lt3A_121 = arith.cmpi slt, %add3A_120, %select_n3A : i32
        %convert_element_type3A_122 = arith.extui %lt3A_121 : i1 to i32
        %cond3A_123 = arith.constant 0 : i32
        %cond3A_124 = arith.cmpi ne, %convert_element_type3A_122, %cond3A_123 : i32
        scf.if %cond3A_124 {
          %add3A_140 = arith.constant 1 : i32
          %add3A_141 = arith.addi %add3A_79, %add3A_140 : i32
          %mul3A_142 = arith.constant 32 : i32
          %mul3A_143 = arith.muli %add3A_141, %mul3A_142 : i32
          %add3A_144 = arith.addi %add3A, %mul3A_143 : i32
          %mul3A_145 = arith.constant 256 : i32
          %mul3A_146 = arith.muli %add3A_144, %mul3A_145 : i32
          %dma_start3A_147 = arith.constant 256 : i32
          %dma_start3A_148 = tpu.memref_slice %arg9[%dma_start3A_147] : memref<512xi32, #tpu.memory_space<vmem>> -> memref<256xi32, #tpu.memory_space<vmem>>
          %dma_start3A_149 = tpu.memref_slice %arg2[%mul3A_146] : memref<320000xi32, #tpu.memory_space<hbm>> -> memref<256xi32, #tpu.memory_space<hbm>>
          %dma_start3A_150 = arith.constant 256 : i32
          %dma_start3A_151 = tpu.memref_slice %arg9[%dma_start3A_150] : memref<512xi32, #tpu.memory_space<vmem>> -> memref<256xi32, #tpu.memory_space<vmem>>
          %dma_start3A_152 = tpu.memref_slice %arg2[%mul3A_146] : memref<320000xi32, #tpu.memory_space<hbm>> -> memref<256xi32, #tpu.memory_space<hbm>>
          tpu.enqueue_dma source(%dma_start3A_152 : memref<256xi32, #tpu.memory_space<hbm>>) target(%dma_start3A_151 : memref<256xi32, #tpu.memory_space<vmem>>) target_semaphore(%arg18 : memref<!tpu.dma_semaphore, #tpu.memory_space<semaphore_mem>>)
          %dma_start3A_153 = arith.constant 256 : i32
          %dma_start3A_154 = tpu.memref_slice %arg10[%dma_start3A_153] : memref<512xi32, #tpu.memory_space<vmem>> -> memref<256xi32, #tpu.memory_space<vmem>>
          %dma_start3A_155 = tpu.memref_slice %arg3[%mul3A_146] : memref<320000xi32, #tpu.memory_space<hbm>> -> memref<256xi32, #tpu.memory_space<hbm>>
          %dma_start3A_156 = arith.constant 256 : i32
          %dma_start3A_157 = tpu.memref_slice %arg10[%dma_start3A_156] : memref<512xi32, #tpu.memory_space<vmem>> -> memref<256xi32, #tpu.memory_space<vmem>>
          %dma_start3A_158 = tpu.memref_slice %arg3[%mul3A_146] : memref<320000xi32, #tpu.memory_space<hbm>> -> memref<256xi32, #tpu.memory_space<hbm>>
          tpu.enqueue_dma source(%dma_start3A_158 : memref<256xi32, #tpu.memory_space<hbm>>) target(%dma_start3A_157 : memref<256xi32, #tpu.memory_space<vmem>>) target_semaphore(%arg18 : memref<!tpu.dma_semaphore, #tpu.memory_space<semaphore_mem>>)
          %dma_start3A_159 = arith.constant 256 : i32
          %dma_start3A_160 = tpu.memref_slice %arg11[%dma_start3A_159] : memref<512xi32, #tpu.memory_space<vmem>> -> memref<256xi32, #tpu.memory_space<vmem>>
          %dma_start3A_161 = tpu.memref_slice %arg4[%mul3A_146] : memref<320000xi32, #tpu.memory_space<hbm>> -> memref<256xi32, #tpu.memory_space<hbm>>
          %dma_start3A_162 = arith.constant 256 : i32
          %dma_start3A_163 = tpu.memref_slice %arg11[%dma_start3A_162] : memref<512xi32, #tpu.memory_space<vmem>> -> memref<256xi32, #tpu.memory_space<vmem>>
          %dma_start3A_164 = tpu.memref_slice %arg4[%mul3A_146] : memref<320000xi32, #tpu.memory_space<hbm>> -> memref<256xi32, #tpu.memory_space<hbm>>
          tpu.enqueue_dma source(%dma_start3A_164 : memref<256xi32, #tpu.memory_space<hbm>>) target(%dma_start3A_163 : memref<256xi32, #tpu.memory_space<vmem>>) target_semaphore(%arg18 : memref<!tpu.dma_semaphore, #tpu.memory_space<semaphore_mem>>)
        } else {
        }
        %ge3A = arith.constant 2 : i32
        %ge3A_125 = arith.cmpi sge, %add3A_79, %ge3A : i32
        %convert_element_type3A_126 = arith.extui %ge3A_125 : i1 to i32
        %cond3A_127 = arith.constant 0 : i32
        %cond3A_128 = arith.cmpi ne, %convert_element_type3A_126, %cond3A_127 : i32
        scf.if %cond3A_128 {
          %dma_wait3A_140 = arith.constant 0 : i32
          %dma_wait3A_141 = arith.constant 0 : i32
          %dma_wait3A_142 = tpu.memref_slice %arg12[%dma_wait3A_140, %dma_wait3A_141] : memref<512x128xf32, #tpu.memory_space<vmem>> -> memref<256x128xf32, #tpu.memory_space<vmem>>
          %dma_wait3A_143 = arith.constant 0 : i32
          %dma_wait3A_144 = arith.constant 0 : i32
          %dma_wait3A_145 = tpu.memref_slice %arg8[%dma_wait3A_143, %dma_wait3A_144] : memref<320000x128xf32, #tpu.memory_space<hbm>> -> memref<256x128xf32, #tpu.memory_space<hbm>>
          %dma_wait3A_146 = arith.constant 0 : i32
          %dma_wait3A_147 = arith.constant 0 : i32
          %dma_wait3A_148 = tpu.memref_slice %arg8[%dma_wait3A_146, %dma_wait3A_147] : memref<320000x128xf32, #tpu.memory_space<hbm>> -> memref<256x128xf32, #tpu.memory_space<hbm>>
          %dma_wait3A_149 = arith.constant 0 : i32
          %dma_wait3A_150 = arith.constant 0 : i32
          %dma_wait3A_151 = tpu.memref_slice %arg12[%dma_wait3A_149, %dma_wait3A_150] : memref<512x128xf32, #tpu.memory_space<vmem>> -> memref<256x128xf32, #tpu.memory_space<vmem>>
          tpu.wait_dma2 semaphore(%arg19 : memref<!tpu.dma_semaphore, #tpu.memory_space<semaphore_mem>>) src(%dma_wait3A_151 : memref<256x128xf32, #tpu.memory_space<vmem>>) dst(%dma_wait3A_148 : memref<256x128xf32, #tpu.memory_space<hbm>>)
        } else {
        }
        %parallel_loop3A = arith.constant 0 : i32
        %parallel_loop3A_129 = arith.constant 16 : i32
        %parallel_loop3A_130 = arith.constant 1 : i32
        scf.for %parallel_loop3A_140 = %parallel_loop3A to %parallel_loop3A_129 step %parallel_loop3A_130  : i32 {
          %parallel_loop3A_141 = arith.constant 16 : i32
          %parallel_loop3A_142 = arith.muli %parallel_loop3A_140, %parallel_loop3A_141 : i32
          %parallel_loop3A_143 = vector.broadcast %parallel_loop3A_142 : i32 to vector<16xi32>
          %parallel_loop3A_144 = arith.addi %parallel_loop3A_143, %iota3A : vector<16xi32>
          %parallel_loop3A_145 = arith.constant 16 : i32
          %parallel_loop3A_146 = arith.muli %parallel_loop3A_140, %parallel_loop3A_145 : i32
          %parallel_loop3A_147 = arith.constant 0 : i32
          %parallel_loop3A_148 = arith.addi %parallel_loop3A_147, %parallel_loop3A_146 : i32
          %parallel_loop3A_149 = tpu.assume_multiple %parallel_loop3A_148, 16 : i32
          %parallel_loop3A_150 = arith.index_cast %parallel_loop3A_149 : i32 to index
          %parallel_loop3A_151 = tpu.vector_load %arg9[%parallel_loop3A_150] {strides = array<i32>} : memref<512xi32, #tpu.memory_space<vmem>>, vector<16xi32>,
          %parallel_loop3A_152 = arith.index_cast %parallel_loop3A_149 : i32 to index
          %parallel_loop3A_153 = tpu.vector_load %arg10[%parallel_loop3A_152] {strides = array<i32>} : memref<512xi32, #tpu.memory_space<vmem>>, vector<16xi32>,
          %parallel_loop3A_154 = arith.index_cast %parallel_loop3A_149 : i32 to index
          %parallel_loop3A_155 = tpu.vector_load %arg11[%parallel_loop3A_154] {strides = array<i32>} : memref<512xi32, #tpu.memory_space<vmem>>, vector<16xi32>,
          %parallel_loop3A_156 = arith.constant 0 : i32
          %parallel_loop3A_157 = vector.broadcast %parallel_loop3A_156 : i32 to vector<16xi32>
          %parallel_loop3A_158 = arith.maxsi %parallel_loop3A_151, %parallel_loop3A_157 : vector<16xi32>
          %parallel_loop3A_159 = arith.constant 4 : i32
          %parallel_loop3A_160 = vector.broadcast %parallel_loop3A_159 : i32 to vector<16xi32>
          %parallel_loop3A_161 = arith.minsi %parallel_loop3A_158, %parallel_loop3A_160 : vector<16xi32>
          %parallel_loop3A_162 = arith.constant 0 : i32
          %parallel_loop3A_163 = vector.broadcast %parallel_loop3A_162 : i32 to vector<16xi32>
          %parallel_loop3A_164 = arith.maxsi %parallel_loop3A_153, %parallel_loop3A_163 : vector<16xi32>
          %parallel_loop3A_165 = arith.constant 5 : i32
          %parallel_loop3A_166 = vector.broadcast %parallel_loop3A_165 : i32 to vector<16xi32>
          %parallel_loop3A_167 = arith.minsi %parallel_loop3A_164, %parallel_loop3A_166 : vector<16xi32>
          %parallel_loop3A_168 = arith.constant 0 : i32
          %parallel_loop3A_169 = vector.broadcast %parallel_loop3A_168 : i32 to vector<16xi32>
          %parallel_loop3A_170 = arith.maxsi %parallel_loop3A_155, %parallel_loop3A_169 : vector<16xi32>
          %parallel_loop3A_171 = arith.constant 1 : i32
          %parallel_loop3A_172 = vector.broadcast %parallel_loop3A_171 : i32 to vector<16xi32>
          %parallel_loop3A_173 = arith.minsi %parallel_loop3A_170, %parallel_loop3A_172 : vector<16xi32>
          %parallel_loop3A_174 = arith.constant 12 : i32
          %parallel_loop3A_175 = vector.broadcast %parallel_loop3A_174 : i32 to vector<16xi32>
          %parallel_loop3A_176 = arith.muli %parallel_loop3A_161, %parallel_loop3A_175 : vector<16xi32>
          %parallel_loop3A_177 = arith.constant 2 : i32
          %parallel_loop3A_178 = vector.broadcast %parallel_loop3A_177 : i32 to vector<16xi32>
          %parallel_loop3A_179 = arith.muli %parallel_loop3A_167, %parallel_loop3A_178 : vector<16xi32>
          %parallel_loop3A_180 = arith.addi %parallel_loop3A_176, %parallel_loop3A_179 : vector<16xi32>
          %parallel_loop3A_181 = arith.addi %parallel_loop3A_180, %parallel_loop3A_173 : vector<16xi32>
          %parallel_loop3A_182 = arith.constant 128 : i32
          %parallel_loop3A_183 = vector.broadcast %parallel_loop3A_182 : i32 to vector<16xi32>
          %parallel_loop3A_184 = arith.muli %parallel_loop3A_181, %parallel_loop3A_183 : vector<16xi32>
          %parallel_loop3A_185 = arith.constant 0 : i32
          %parallel_loop3A_186 = arith.constant 128 : i32
          %parallel_loop3A_187 = arith.constant 1 : i32
          scf.for %parallel_loop3A_188 = %parallel_loop3A_185 to %parallel_loop3A_186 step %parallel_loop3A_187  : i32 {
            %parallel_loop3A_189 = vector.broadcast %parallel_loop3A_188 : i32 to vector<16xi32>
            %parallel_loop3A_190 = arith.addi %iota3A, %parallel_loop3A_189 : vector<16xi32>
            %parallel_loop3A_191 = arith.constant 127 : i32
            %parallel_loop3A_192 = vector.broadcast %parallel_loop3A_191 : i32 to vector<16xi32>
            %parallel_loop3A_193 = arith.andi %parallel_loop3A_190, %parallel_loop3A_192 : vector<16xi32>
            %parallel_loop3A_194 = arith.addi %parallel_loop3A_184, %parallel_loop3A_193 : vector<16xi32>
            %parallel_loop3A_195 = tpu.vector_load_idx %arg16[%parallel_loop3A_194] : memref<7680xf32, #tpu.memory_space<vmem>>[vector<16xi32>], vector<16xf32>,
            %parallel_loop3A_196 = arith.constant 0 : i32
            %parallel_loop3A_197 = vector.broadcast %parallel_loop3A_196 : i32 to vector<16xi32>
            %parallel_loop3A_198 = arith.addi %parallel_loop3A_197, %parallel_loop3A_144 : vector<16xi32>
            tpu.vector_store_idx %arg12[%parallel_loop3A_198, %parallel_loop3A_193], %parallel_loop3A_195 : memref<512x128xf32, #tpu.memory_space<vmem>>[vector<16xi32>, vector<16xi32>], vector<16xf32>,
          } {sc.loop_unroll_factor = 8 : i64, sc.parallel_access}
        } {sc.loop_unroll_factor = 1 : i64, sc.parallel_access}
        %dma_start3A = arith.constant 0 : i32
        %dma_start3A_131 = arith.constant 0 : i32
        %dma_start3A_132 = tpu.memref_slice %arg12[%dma_start3A, %dma_start3A_131] : memref<512x128xf32, #tpu.memory_space<vmem>> -> memref<256x128xf32, #tpu.memory_space<vmem>>
        %dma_start3A_133 = arith.constant 0 : i32
        %dma_start3A_134 = tpu.memref_slice %arg8[%mul3A_95, %dma_start3A_133] : memref<320000x128xf32, #tpu.memory_space<hbm>> -> memref<256x128xf32, #tpu.memory_space<hbm>>
        %dma_start3A_135 = arith.constant 0 : i32
        %dma_start3A_136 = tpu.memref_slice %arg8[%mul3A_95, %dma_start3A_135] : memref<320000x128xf32, #tpu.memory_space<hbm>> -> memref<256x128xf32, #tpu.memory_space<hbm>>
        %dma_start3A_137 = arith.constant 0 : i32
        %dma_start3A_138 = arith.constant 0 : i32
        %dma_start3A_139 = tpu.memref_slice %arg12[%dma_start3A_137, %dma_start3A_138] : memref<512x128xf32, #tpu.memory_space<vmem>> -> memref<256x128xf32, #tpu.memory_space<vmem>>
        tpu.enqueue_dma source(%dma_start3A_139 : memref<256x128xf32, #tpu.memory_space<vmem>>) target(%dma_start3A_136 : memref<256x128xf32, #tpu.memory_space<hbm>>) target_semaphore(%arg19 : memref<!tpu.dma_semaphore, #tpu.memory_space<semaphore_mem>>)
      } else {
      }
      %mul3A_83 = arith.constant 2 : i32
      %mul3A_84 = arith.muli %mul3A_83, %while3A_75 : i32
      %add3A_85 = arith.constant 1 : i32
      %add3A_86 = arith.addi %mul3A_84, %add3A_85 : i32
      %lt3A_87 = arith.cmpi slt, %add3A_86, %select_n3A : i32
      %convert_element_type3A_88 = arith.extui %lt3A_87 : i1 to i32
      %cond3A_89 = arith.constant 0 : i32
      %cond3A_90 = arith.cmpi ne, %convert_element_type3A_88, %cond3A_89 : i32
      scf.if %cond3A_90 {
        %mul3A_91 = arith.constant 32 : i32
        %mul3A_92 = arith.muli %add3A_86, %mul3A_91 : i32
        %add3A_93 = arith.addi %add3A, %mul3A_92 : i32
        %mul3A_94 = arith.constant 256 : i32
        %mul3A_95 = arith.muli %add3A_93, %mul3A_94 : i32
        %dma_wait3A = arith.constant 256 : i32
        %dma_wait3A_96 = tpu.memref_slice %arg9[%dma_wait3A] : memref<512xi32, #tpu.memory_space<vmem>> -> memref<256xi32, #tpu.memory_space<vmem>>
        %dma_wait3A_97 = arith.constant 0 : i32
        %dma_wait3A_98 = tpu.memref_slice %arg2[%dma_wait3A_97] : memref<320000xi32, #tpu.memory_space<hbm>> -> memref<256xi32, #tpu.memory_space<hbm>>
        %dma_wait3A_99 = arith.constant 256 : i32
        %dma_wait3A_100 = tpu.memref_slice %arg9[%dma_wait3A_99] : memref<512xi32, #tpu.memory_space<vmem>> -> memref<256xi32, #tpu.memory_space<vmem>>
        %dma_wait3A_101 = arith.constant 0 : i32
        %dma_wait3A_102 = tpu.memref_slice %arg2[%dma_wait3A_101] : memref<320000xi32, #tpu.memory_space<hbm>> -> memref<256xi32, #tpu.memory_space<hbm>>
        tpu.wait_dma2 semaphore(%arg18 : memref<!tpu.dma_semaphore, #tpu.memory_space<semaphore_mem>>) src(%dma_wait3A_102 : memref<256xi32, #tpu.memory_space<hbm>>) dst(%dma_wait3A_100 : memref<256xi32, #tpu.memory_space<vmem>>)
        %dma_wait3A_103 = arith.constant 256 : i32
        %dma_wait3A_104 = tpu.memref_slice %arg10[%dma_wait3A_103] : memref<512xi32, #tpu.memory_space<vmem>> -> memref<256xi32, #tpu.memory_space<vmem>>
        %dma_wait3A_105 = arith.constant 0 : i32
        %dma_wait3A_106 = tpu.memref_slice %arg2[%dma_wait3A_105] : memref<320000xi32, #tpu.memory_space<hbm>> -> memref<256xi32, #tpu.memory_space<hbm>>
        %dma_wait3A_107 = arith.constant 256 : i32
        %dma_wait3A_108 = tpu.memref_slice %arg10[%dma_wait3A_107] : memref<512xi32, #tpu.memory_space<vmem>> -> memref<256xi32, #tpu.memory_space<vmem>>
        %dma_wait3A_109 = arith.constant 0 : i32
        %dma_wait3A_110 = tpu.memref_slice %arg2[%dma_wait3A_109] : memref<320000xi32, #tpu.memory_space<hbm>> -> memref<256xi32, #tpu.memory_space<hbm>>
        tpu.wait_dma2 semaphore(%arg18 : memref<!tpu.dma_semaphore, #tpu.memory_space<semaphore_mem>>) src(%dma_wait3A_110 : memref<256xi32, #tpu.memory_space<hbm>>) dst(%dma_wait3A_108 : memref<256xi32, #tpu.memory_space<vmem>>)
        %dma_wait3A_111 = arith.constant 256 : i32
        %dma_wait3A_112 = tpu.memref_slice %arg11[%dma_wait3A_111] : memref<512xi32, #tpu.memory_space<vmem>> -> memref<256xi32, #tpu.memory_space<vmem>>
        %dma_wait3A_113 = arith.constant 0 : i32
        %dma_wait3A_114 = tpu.memref_slice %arg2[%dma_wait3A_113] : memref<320000xi32, #tpu.memory_space<hbm>> -> memref<256xi32, #tpu.memory_space<hbm>>
        %dma_wait3A_115 = arith.constant 256 : i32
        %dma_wait3A_116 = tpu.memref_slice %arg11[%dma_wait3A_115] : memref<512xi32, #tpu.memory_space<vmem>> -> memref<256xi32, #tpu.memory_space<vmem>>
        %dma_wait3A_117 = arith.constant 0 : i32
        %dma_wait3A_118 = tpu.memref_slice %arg2[%dma_wait3A_117] : memref<320000xi32, #tpu.memory_space<hbm>> -> memref<256xi32, #tpu.memory_space<hbm>>
        tpu.wait_dma2 semaphore(%arg18 : memref<!tpu.dma_semaphore, #tpu.memory_space<semaphore_mem>>) src(%dma_wait3A_118 : memref<256xi32, #tpu.memory_space<hbm>>) dst(%dma_wait3A_116 : memref<256xi32, #tpu.memory_space<vmem>>)
        %add3A_119 = arith.constant 1 : i32
        %add3A_120 = arith.addi %add3A_86, %add3A_119 : i32
        %lt3A_121 = arith.cmpi slt, %add3A_120, %select_n3A : i32
        %convert_element_type3A_122 = arith.extui %lt3A_121 : i1 to i32
        %cond3A_123 = arith.constant 0 : i32
        %cond3A_124 = arith.cmpi ne, %convert_element_type3A_122, %cond3A_123 : i32
        scf.if %cond3A_124 {
          %add3A_140 = arith.constant 1 : i32
          %add3A_141 = arith.addi %add3A_86, %add3A_140 : i32
          %mul3A_142 = arith.constant 32 : i32
          %mul3A_143 = arith.muli %add3A_141, %mul3A_142 : i32
          %add3A_144 = arith.addi %add3A, %mul3A_143 : i32
          %mul3A_145 = arith.constant 256 : i32
          %mul3A_146 = arith.muli %add3A_144, %mul3A_145 : i32
          %dma_start3A_147 = arith.constant 0 : i32
          %dma_start3A_148 = tpu.memref_slice %arg9[%dma_start3A_147] : memref<512xi32, #tpu.memory_space<vmem>> -> memref<256xi32, #tpu.memory_space<vmem>>
          %dma_start3A_149 = tpu.memref_slice %arg2[%mul3A_146] : memref<320000xi32, #tpu.memory_space<hbm>> -> memref<256xi32, #tpu.memory_space<hbm>>
          %dma_start3A_150 = arith.constant 0 : i32
          %dma_start3A_151 = tpu.memref_slice %arg9[%dma_start3A_150] : memref<512xi32, #tpu.memory_space<vmem>> -> memref<256xi32, #tpu.memory_space<vmem>>
          %dma_start3A_152 = tpu.memref_slice %arg2[%mul3A_146] : memref<320000xi32, #tpu.memory_space<hbm>> -> memref<256xi32, #tpu.memory_space<hbm>>
          tpu.enqueue_dma source(%dma_start3A_152 : memref<256xi32, #tpu.memory_space<hbm>>) target(%dma_start3A_151 : memref<256xi32, #tpu.memory_space<vmem>>) target_semaphore(%arg17 : memref<!tpu.dma_semaphore, #tpu.memory_space<semaphore_mem>>)
          %dma_start3A_153 = arith.constant 0 : i32
          %dma_start3A_154 = tpu.memref_slice %arg10[%dma_start3A_153] : memref<512xi32, #tpu.memory_space<vmem>> -> memref<256xi32, #tpu.memory_space<vmem>>
          %dma_start3A_155 = tpu.memref_slice %arg3[%mul3A_146] : memref<320000xi32, #tpu.memory_space<hbm>> -> memref<256xi32, #tpu.memory_space<hbm>>
          %dma_start3A_156 = arith.constant 0 : i32
          %dma_start3A_157 = tpu.memref_slice %arg10[%dma_start3A_156] : memref<512xi32, #tpu.memory_space<vmem>> -> memref<256xi32, #tpu.memory_space<vmem>>
          %dma_start3A_158 = tpu.memref_slice %arg3[%mul3A_146] : memref<320000xi32, #tpu.memory_space<hbm>> -> memref<256xi32, #tpu.memory_space<hbm>>
          tpu.enqueue_dma source(%dma_start3A_158 : memref<256xi32, #tpu.memory_space<hbm>>) target(%dma_start3A_157 : memref<256xi32, #tpu.memory_space<vmem>>) target_semaphore(%arg17 : memref<!tpu.dma_semaphore, #tpu.memory_space<semaphore_mem>>)
          %dma_start3A_159 = arith.constant 0 : i32
          %dma_start3A_160 = tpu.memref_slice %arg11[%dma_start3A_159] : memref<512xi32, #tpu.memory_space<vmem>> -> memref<256xi32, #tpu.memory_space<vmem>>
          %dma_start3A_161 = tpu.memref_slice %arg4[%mul3A_146] : memref<320000xi32, #tpu.memory_space<hbm>> -> memref<256xi32, #tpu.memory_space<hbm>>
          %dma_start3A_162 = arith.constant 0 : i32
          %dma_start3A_163 = tpu.memref_slice %arg11[%dma_start3A_162] : memref<512xi32, #tpu.memory_space<vmem>> -> memref<256xi32, #tpu.memory_space<vmem>>
          %dma_start3A_164 = tpu.memref_slice %arg4[%mul3A_146] : memref<320000xi32, #tpu.memory_space<hbm>> -> memref<256xi32, #tpu.memory_space<hbm>>
          tpu.enqueue_dma source(%dma_start3A_164 : memref<256xi32, #tpu.memory_space<hbm>>) target(%dma_start3A_163 : memref<256xi32, #tpu.memory_space<vmem>>) target_semaphore(%arg17 : memref<!tpu.dma_semaphore, #tpu.memory_space<semaphore_mem>>)
        } else {
        }
        %ge3A = arith.constant 2 : i32
        %ge3A_125 = arith.cmpi sge, %add3A_86, %ge3A : i32
        %convert_element_type3A_126 = arith.extui %ge3A_125 : i1 to i32
        %cond3A_127 = arith.constant 0 : i32
        %cond3A_128 = arith.cmpi ne, %convert_element_type3A_126, %cond3A_127 : i32
        scf.if %cond3A_128 {
          %dma_wait3A_140 = arith.constant 256 : i32
          %dma_wait3A_141 = arith.constant 0 : i32
          %dma_wait3A_142 = tpu.memref_slice %arg12[%dma_wait3A_140, %dma_wait3A_141] : memref<512x128xf32, #tpu.memory_space<vmem>> -> memref<256x128xf32, #tpu.memory_space<vmem>>
          %dma_wait3A_143 = arith.constant 0 : i32
          %dma_wait3A_144 = arith.constant 0 : i32
          %dma_wait3A_145 = tpu.memref_slice %arg8[%dma_wait3A_143, %dma_wait3A_144] : memref<320000x128xf32, #tpu.memory_space<hbm>> -> memref<256x128xf32, #tpu.memory_space<hbm>>
          %dma_wait3A_146 = arith.constant 0 : i32
          %dma_wait3A_147 = arith.constant 0 : i32
          %dma_wait3A_148 = tpu.memref_slice %arg8[%dma_wait3A_146, %dma_wait3A_147] : memref<320000x128xf32, #tpu.memory_space<hbm>> -> memref<256x128xf32, #tpu.memory_space<hbm>>
          %dma_wait3A_149 = arith.constant 256 : i32
          %dma_wait3A_150 = arith.constant 0 : i32
          %dma_wait3A_151 = tpu.memref_slice %arg12[%dma_wait3A_149, %dma_wait3A_150] : memref<512x128xf32, #tpu.memory_space<vmem>> -> memref<256x128xf32, #tpu.memory_space<vmem>>
          tpu.wait_dma2 semaphore(%arg20 : memref<!tpu.dma_semaphore, #tpu.memory_space<semaphore_mem>>) src(%dma_wait3A_151 : memref<256x128xf32, #tpu.memory_space<vmem>>) dst(%dma_wait3A_148 : memref<256x128xf32, #tpu.memory_space<hbm>>)
        } else {
        }
        %parallel_loop3A = arith.constant 0 : i32
        %parallel_loop3A_129 = arith.constant 16 : i32
        %parallel_loop3A_130 = arith.constant 1 : i32
        scf.for %parallel_loop3A_140 = %parallel_loop3A to %parallel_loop3A_129 step %parallel_loop3A_130  : i32 {
          %parallel_loop3A_141 = arith.constant 16 : i32
          %parallel_loop3A_142 = arith.muli %parallel_loop3A_140, %parallel_loop3A_141 : i32
          %parallel_loop3A_143 = vector.broadcast %parallel_loop3A_142 : i32 to vector<16xi32>
          %parallel_loop3A_144 = arith.addi %parallel_loop3A_143, %iota3A : vector<16xi32>
          %parallel_loop3A_145 = arith.constant 16 : i32
          %parallel_loop3A_146 = arith.muli %parallel_loop3A_140, %parallel_loop3A_145 : i32
          %parallel_loop3A_147 = arith.constant 256 : i32
          %parallel_loop3A_148 = arith.addi %parallel_loop3A_147, %parallel_loop3A_146 : i32
          %parallel_loop3A_149 = tpu.assume_multiple %parallel_loop3A_148, 16 : i32
          %parallel_loop3A_150 = arith.index_cast %parallel_loop3A_149 : i32 to index
          %parallel_loop3A_151 = tpu.vector_load %arg9[%parallel_loop3A_150] {strides = array<i32>} : memref<512xi32, #tpu.memory_space<vmem>>, vector<16xi32>,
          %parallel_loop3A_152 = arith.index_cast %parallel_loop3A_149 : i32 to index
          %parallel_loop3A_153 = tpu.vector_load %arg10[%parallel_loop3A_152] {strides = array<i32>} : memref<512xi32, #tpu.memory_space<vmem>>, vector<16xi32>,
          %parallel_loop3A_154 = arith.index_cast %parallel_loop3A_149 : i32 to index
          %parallel_loop3A_155 = tpu.vector_load %arg11[%parallel_loop3A_154] {strides = array<i32>} : memref<512xi32, #tpu.memory_space<vmem>>, vector<16xi32>,
          %parallel_loop3A_156 = arith.constant 0 : i32
          %parallel_loop3A_157 = vector.broadcast %parallel_loop3A_156 : i32 to vector<16xi32>
          %parallel_loop3A_158 = arith.maxsi %parallel_loop3A_151, %parallel_loop3A_157 : vector<16xi32>
          %parallel_loop3A_159 = arith.constant 4 : i32
          %parallel_loop3A_160 = vector.broadcast %parallel_loop3A_159 : i32 to vector<16xi32>
          %parallel_loop3A_161 = arith.minsi %parallel_loop3A_158, %parallel_loop3A_160 : vector<16xi32>
          %parallel_loop3A_162 = arith.constant 0 : i32
          %parallel_loop3A_163 = vector.broadcast %parallel_loop3A_162 : i32 to vector<16xi32>
          %parallel_loop3A_164 = arith.maxsi %parallel_loop3A_153, %parallel_loop3A_163 : vector<16xi32>
          %parallel_loop3A_165 = arith.constant 5 : i32
          %parallel_loop3A_166 = vector.broadcast %parallel_loop3A_165 : i32 to vector<16xi32>
          %parallel_loop3A_167 = arith.minsi %parallel_loop3A_164, %parallel_loop3A_166 : vector<16xi32>
          %parallel_loop3A_168 = arith.constant 0 : i32
          %parallel_loop3A_169 = vector.broadcast %parallel_loop3A_168 : i32 to vector<16xi32>
          %parallel_loop3A_170 = arith.maxsi %parallel_loop3A_155, %parallel_loop3A_169 : vector<16xi32>
          %parallel_loop3A_171 = arith.constant 1 : i32
          %parallel_loop3A_172 = vector.broadcast %parallel_loop3A_171 : i32 to vector<16xi32>
          %parallel_loop3A_173 = arith.minsi %parallel_loop3A_170, %parallel_loop3A_172 : vector<16xi32>
          %parallel_loop3A_174 = arith.constant 12 : i32
          %parallel_loop3A_175 = vector.broadcast %parallel_loop3A_174 : i32 to vector<16xi32>
          %parallel_loop3A_176 = arith.muli %parallel_loop3A_161, %parallel_loop3A_175 : vector<16xi32>
          %parallel_loop3A_177 = arith.constant 2 : i32
          %parallel_loop3A_178 = vector.broadcast %parallel_loop3A_177 : i32 to vector<16xi32>
          %parallel_loop3A_179 = arith.muli %parallel_loop3A_167, %parallel_loop3A_178 : vector<16xi32>
          %parallel_loop3A_180 = arith.addi %parallel_loop3A_176, %parallel_loop3A_179 : vector<16xi32>
          %parallel_loop3A_181 = arith.addi %parallel_loop3A_180, %parallel_loop3A_173 : vector<16xi32>
          %parallel_loop3A_182 = arith.constant 128 : i32
          %parallel_loop3A_183 = vector.broadcast %parallel_loop3A_182 : i32 to vector<16xi32>
          %parallel_loop3A_184 = arith.muli %parallel_loop3A_181, %parallel_loop3A_183 : vector<16xi32>
          %parallel_loop3A_185 = arith.constant 0 : i32
          %parallel_loop3A_186 = arith.constant 128 : i32
          %parallel_loop3A_187 = arith.constant 1 : i32
          scf.for %parallel_loop3A_188 = %parallel_loop3A_185 to %parallel_loop3A_186 step %parallel_loop3A_187  : i32 {
            %parallel_loop3A_189 = vector.broadcast %parallel_loop3A_188 : i32 to vector<16xi32>
            %parallel_loop3A_190 = arith.addi %iota3A, %parallel_loop3A_189 : vector<16xi32>
            %parallel_loop3A_191 = arith.constant 127 : i32
            %parallel_loop3A_192 = vector.broadcast %parallel_loop3A_191 : i32 to vector<16xi32>
            %parallel_loop3A_193 = arith.andi %parallel_loop3A_190, %parallel_loop3A_192 : vector<16xi32>
            %parallel_loop3A_194 = arith.addi %parallel_loop3A_184, %parallel_loop3A_193 : vector<16xi32>
            %parallel_loop3A_195 = tpu.vector_load_idx %arg16[%parallel_loop3A_194] : memref<7680xf32, #tpu.memory_space<vmem>>[vector<16xi32>], vector<16xf32>,
            %parallel_loop3A_196 = arith.constant 256 : i32
            %parallel_loop3A_197 = vector.broadcast %parallel_loop3A_196 : i32 to vector<16xi32>
            %parallel_loop3A_198 = arith.addi %parallel_loop3A_197, %parallel_loop3A_144 : vector<16xi32>
            tpu.vector_store_idx %arg12[%parallel_loop3A_198, %parallel_loop3A_193], %parallel_loop3A_195 : memref<512x128xf32, #tpu.memory_space<vmem>>[vector<16xi32>, vector<16xi32>], vector<16xf32>,
          } {sc.loop_unroll_factor = 8 : i64, sc.parallel_access}
        } {sc.loop_unroll_factor = 1 : i64, sc.parallel_access}
        %dma_start3A = arith.constant 256 : i32
        %dma_start3A_131 = arith.constant 0 : i32
        %dma_start3A_132 = tpu.memref_slice %arg12[%dma_start3A, %dma_start3A_131] : memref<512x128xf32, #tpu.memory_space<vmem>> -> memref<256x128xf32, #tpu.memory_space<vmem>>
        %dma_start3A_133 = arith.constant 0 : i32
        %dma_start3A_134 = tpu.memref_slice %arg8[%mul3A_95, %dma_start3A_133] : memref<320000x128xf32, #tpu.memory_space<hbm>> -> memref<256x128xf32, #tpu.memory_space<hbm>>
        %dma_start3A_135 = arith.constant 0 : i32
        %dma_start3A_136 = tpu.memref_slice %arg8[%mul3A_95, %dma_start3A_135] : memref<320000x128xf32, #tpu.memory_space<hbm>> -> memref<256x128xf32, #tpu.memory_space<hbm>>
        %dma_start3A_137 = arith.constant 256 : i32
        %dma_start3A_138 = arith.constant 0 : i32
        %dma_start3A_139 = tpu.memref_slice %arg12[%dma_start3A_137, %dma_start3A_138] : memref<512x128xf32, #tpu.memory_space<vmem>> -> memref<256x128xf32, #tpu.memory_space<vmem>>
        tpu.enqueue_dma source(%dma_start3A_139 : memref<256x128xf32, #tpu.memory_space<vmem>>) target(%dma_start3A_136 : memref<256x128xf32, #tpu.memory_space<hbm>>) target_semaphore(%arg20 : memref<!tpu.dma_semaphore, #tpu.memory_space<semaphore_mem>>)
      } else {
      }
    }
    %while3A_64 = arith.constant 1 : i32
    scf.for %while3A_75 = %while3A_62 to %while3A_58 step %while3A_64  : i32 {
      %mul3A_76 = arith.constant 2 : i32
      %mul3A_77 = arith.muli %mul3A_76, %while3A_75 : i32
      %add3A_78 = arith.constant 0 : i32
      %add3A_79 = arith.addi %mul3A_77, %add3A_78 : i32
      %lt3A = arith.cmpi slt, %add3A_79, %select_n3A : i32
      %convert_element_type3A_80 = arith.extui %lt3A : i1 to i32
      %cond3A_81 = arith.constant 0 : i32
      %cond3A_82 = arith.cmpi ne, %convert_element_type3A_80, %cond3A_81 : i32
      scf.if %cond3A_82 {
        %mul3A_91 = arith.constant 32 : i32
        %mul3A_92 = arith.muli %add3A_79, %mul3A_91 : i32
        %add3A_93 = arith.addi %add3A, %mul3A_92 : i32
        %mul3A_94 = arith.constant 256 : i32
        %mul3A_95 = arith.muli %add3A_93, %mul3A_94 : i32
        %dma_wait3A = arith.constant 0 : i32
        %dma_wait3A_96 = tpu.memref_slice %arg9[%dma_wait3A] : memref<512xi32, #tpu.memory_space<vmem>> -> memref<256xi32, #tpu.memory_space<vmem>>
        %dma_wait3A_97 = arith.constant 0 : i32
        %dma_wait3A_98 = tpu.memref_slice %arg2[%dma_wait3A_97] : memref<320000xi32, #tpu.memory_space<hbm>> -> memref<256xi32, #tpu.memory_space<hbm>>
        %dma_wait3A_99 = arith.constant 0 : i32
        %dma_wait3A_100 = tpu.memref_slice %arg9[%dma_wait3A_99] : memref<512xi32, #tpu.memory_space<vmem>> -> memref<256xi32, #tpu.memory_space<vmem>>
        %dma_wait3A_101 = arith.constant 0 : i32
        %dma_wait3A_102 = tpu.memref_slice %arg2[%dma_wait3A_101] : memref<320000xi32, #tpu.memory_space<hbm>> -> memref<256xi32, #tpu.memory_space<hbm>>
        tpu.wait_dma2 semaphore(%arg17 : memref<!tpu.dma_semaphore, #tpu.memory_space<semaphore_mem>>) src(%dma_wait3A_102 : memref<256xi32, #tpu.memory_space<hbm>>) dst(%dma_wait3A_100 : memref<256xi32, #tpu.memory_space<vmem>>)
        %dma_wait3A_103 = arith.constant 0 : i32
        %dma_wait3A_104 = tpu.memref_slice %arg10[%dma_wait3A_103] : memref<512xi32, #tpu.memory_space<vmem>> -> memref<256xi32, #tpu.memory_space<vmem>>
        %dma_wait3A_105 = arith.constant 0 : i32
        %dma_wait3A_106 = tpu.memref_slice %arg2[%dma_wait3A_105] : memref<320000xi32, #tpu.memory_space<hbm>> -> memref<256xi32, #tpu.memory_space<hbm>>
        %dma_wait3A_107 = arith.constant 0 : i32
        %dma_wait3A_108 = tpu.memref_slice %arg10[%dma_wait3A_107] : memref<512xi32, #tpu.memory_space<vmem>> -> memref<256xi32, #tpu.memory_space<vmem>>
        %dma_wait3A_109 = arith.constant 0 : i32
        %dma_wait3A_110 = tpu.memref_slice %arg2[%dma_wait3A_109] : memref<320000xi32, #tpu.memory_space<hbm>> -> memref<256xi32, #tpu.memory_space<hbm>>
        tpu.wait_dma2 semaphore(%arg17 : memref<!tpu.dma_semaphore, #tpu.memory_space<semaphore_mem>>) src(%dma_wait3A_110 : memref<256xi32, #tpu.memory_space<hbm>>) dst(%dma_wait3A_108 : memref<256xi32, #tpu.memory_space<vmem>>)
        %dma_wait3A_111 = arith.constant 0 : i32
        %dma_wait3A_112 = tpu.memref_slice %arg11[%dma_wait3A_111] : memref<512xi32, #tpu.memory_space<vmem>> -> memref<256xi32, #tpu.memory_space<vmem>>
        %dma_wait3A_113 = arith.constant 0 : i32
        %dma_wait3A_114 = tpu.memref_slice %arg2[%dma_wait3A_113] : memref<320000xi32, #tpu.memory_space<hbm>> -> memref<256xi32, #tpu.memory_space<hbm>>
        %dma_wait3A_115 = arith.constant 0 : i32
        %dma_wait3A_116 = tpu.memref_slice %arg11[%dma_wait3A_115] : memref<512xi32, #tpu.memory_space<vmem>> -> memref<256xi32, #tpu.memory_space<vmem>>
        %dma_wait3A_117 = arith.constant 0 : i32
        %dma_wait3A_118 = tpu.memref_slice %arg2[%dma_wait3A_117] : memref<320000xi32, #tpu.memory_space<hbm>> -> memref<256xi32, #tpu.memory_space<hbm>>
        tpu.wait_dma2 semaphore(%arg17 : memref<!tpu.dma_semaphore, #tpu.memory_space<semaphore_mem>>) src(%dma_wait3A_118 : memref<256xi32, #tpu.memory_space<hbm>>) dst(%dma_wait3A_116 : memref<256xi32, #tpu.memory_space<vmem>>)
        %add3A_119 = arith.constant 1 : i32
        %add3A_120 = arith.addi %add3A_79, %add3A_119 : i32
        %lt3A_121 = arith.cmpi slt, %add3A_120, %select_n3A : i32
        %convert_element_type3A_122 = arith.extui %lt3A_121 : i1 to i32
        %cond3A_123 = arith.constant 0 : i32
        %cond3A_124 = arith.cmpi ne, %convert_element_type3A_122, %cond3A_123 : i32
        scf.if %cond3A_124 {
          %add3A_140 = arith.constant 1 : i32
          %add3A_141 = arith.addi %add3A_79, %add3A_140 : i32
          %mul3A_142 = arith.constant 32 : i32
          %mul3A_143 = arith.muli %add3A_141, %mul3A_142 : i32
          %add3A_144 = arith.addi %add3A, %mul3A_143 : i32
          %mul3A_145 = arith.constant 256 : i32
          %mul3A_146 = arith.muli %add3A_144, %mul3A_145 : i32
          %dma_start3A_147 = arith.constant 256 : i32
          %dma_start3A_148 = tpu.memref_slice %arg9[%dma_start3A_147] : memref<512xi32, #tpu.memory_space<vmem>> -> memref<256xi32, #tpu.memory_space<vmem>>
          %dma_start3A_149 = tpu.memref_slice %arg2[%mul3A_146] : memref<320000xi32, #tpu.memory_space<hbm>> -> memref<256xi32, #tpu.memory_space<hbm>>
          %dma_start3A_150 = arith.constant 256 : i32
          %dma_start3A_151 = tpu.memref_slice %arg9[%dma_start3A_150] : memref<512xi32, #tpu.memory_space<vmem>> -> memref<256xi32, #tpu.memory_space<vmem>>
          %dma_start3A_152 = tpu.memref_slice %arg2[%mul3A_146] : memref<320000xi32, #tpu.memory_space<hbm>> -> memref<256xi32, #tpu.memory_space<hbm>>
          tpu.enqueue_dma source(%dma_start3A_152 : memref<256xi32, #tpu.memory_space<hbm>>) target(%dma_start3A_151 : memref<256xi32, #tpu.memory_space<vmem>>) target_semaphore(%arg18 : memref<!tpu.dma_semaphore, #tpu.memory_space<semaphore_mem>>)
          %dma_start3A_153 = arith.constant 256 : i32
          %dma_start3A_154 = tpu.memref_slice %arg10[%dma_start3A_153] : memref<512xi32, #tpu.memory_space<vmem>> -> memref<256xi32, #tpu.memory_space<vmem>>
          %dma_start3A_155 = tpu.memref_slice %arg3[%mul3A_146] : memref<320000xi32, #tpu.memory_space<hbm>> -> memref<256xi32, #tpu.memory_space<hbm>>
          %dma_start3A_156 = arith.constant 256 : i32
          %dma_start3A_157 = tpu.memref_slice %arg10[%dma_start3A_156] : memref<512xi32, #tpu.memory_space<vmem>> -> memref<256xi32, #tpu.memory_space<vmem>>
          %dma_start3A_158 = tpu.memref_slice %arg3[%mul3A_146] : memref<320000xi32, #tpu.memory_space<hbm>> -> memref<256xi32, #tpu.memory_space<hbm>>
          tpu.enqueue_dma source(%dma_start3A_158 : memref<256xi32, #tpu.memory_space<hbm>>) target(%dma_start3A_157 : memref<256xi32, #tpu.memory_space<vmem>>) target_semaphore(%arg18 : memref<!tpu.dma_semaphore, #tpu.memory_space<semaphore_mem>>)
          %dma_start3A_159 = arith.constant 256 : i32
          %dma_start3A_160 = tpu.memref_slice %arg11[%dma_start3A_159] : memref<512xi32, #tpu.memory_space<vmem>> -> memref<256xi32, #tpu.memory_space<vmem>>
          %dma_start3A_161 = tpu.memref_slice %arg4[%mul3A_146] : memref<320000xi32, #tpu.memory_space<hbm>> -> memref<256xi32, #tpu.memory_space<hbm>>
          %dma_start3A_162 = arith.constant 256 : i32
          %dma_start3A_163 = tpu.memref_slice %arg11[%dma_start3A_162] : memref<512xi32, #tpu.memory_space<vmem>> -> memref<256xi32, #tpu.memory_space<vmem>>
          %dma_start3A_164 = tpu.memref_slice %arg4[%mul3A_146] : memref<320000xi32, #tpu.memory_space<hbm>> -> memref<256xi32, #tpu.memory_space<hbm>>
          tpu.enqueue_dma source(%dma_start3A_164 : memref<256xi32, #tpu.memory_space<hbm>>) target(%dma_start3A_163 : memref<256xi32, #tpu.memory_space<vmem>>) target_semaphore(%arg18 : memref<!tpu.dma_semaphore, #tpu.memory_space<semaphore_mem>>)
        } else {
        }
        %ge3A = arith.constant 2 : i32
        %ge3A_125 = arith.cmpi sge, %add3A_79, %ge3A : i32
        %convert_element_type3A_126 = arith.extui %ge3A_125 : i1 to i32
        %cond3A_127 = arith.constant 0 : i32
        %cond3A_128 = arith.cmpi ne, %convert_element_type3A_126, %cond3A_127 : i32
        scf.if %cond3A_128 {
          %dma_wait3A_140 = arith.constant 0 : i32
          %dma_wait3A_141 = arith.constant 0 : i32
          %dma_wait3A_142 = tpu.memref_slice %arg12[%dma_wait3A_140, %dma_wait3A_141] : memref<512x128xf32, #tpu.memory_space<vmem>> -> memref<256x128xf32, #tpu.memory_space<vmem>>
          %dma_wait3A_143 = arith.constant 0 : i32
          %dma_wait3A_144 = arith.constant 0 : i32
          %dma_wait3A_145 = tpu.memref_slice %arg8[%dma_wait3A_143, %dma_wait3A_144] : memref<320000x128xf32, #tpu.memory_space<hbm>> -> memref<256x128xf32, #tpu.memory_space<hbm>>
          %dma_wait3A_146 = arith.constant 0 : i32
          %dma_wait3A_147 = arith.constant 0 : i32
          %dma_wait3A_148 = tpu.memref_slice %arg8[%dma_wait3A_146, %dma_wait3A_147] : memref<320000x128xf32, #tpu.memory_space<hbm>> -> memref<256x128xf32, #tpu.memory_space<hbm>>
          %dma_wait3A_149 = arith.constant 0 : i32
          %dma_wait3A_150 = arith.constant 0 : i32
          %dma_wait3A_151 = tpu.memref_slice %arg12[%dma_wait3A_149, %dma_wait3A_150] : memref<512x128xf32, #tpu.memory_space<vmem>> -> memref<256x128xf32, #tpu.memory_space<vmem>>
          tpu.wait_dma2 semaphore(%arg19 : memref<!tpu.dma_semaphore, #tpu.memory_space<semaphore_mem>>) src(%dma_wait3A_151 : memref<256x128xf32, #tpu.memory_space<vmem>>) dst(%dma_wait3A_148 : memref<256x128xf32, #tpu.memory_space<hbm>>)
        } else {
        }
        %parallel_loop3A = arith.constant 0 : i32
        %parallel_loop3A_129 = arith.constant 16 : i32
        %parallel_loop3A_130 = arith.constant 1 : i32
        scf.for %parallel_loop3A_140 = %parallel_loop3A to %parallel_loop3A_129 step %parallel_loop3A_130  : i32 {
          %parallel_loop3A_141 = arith.constant 16 : i32
          %parallel_loop3A_142 = arith.muli %parallel_loop3A_140, %parallel_loop3A_141 : i32
          %parallel_loop3A_143 = vector.broadcast %parallel_loop3A_142 : i32 to vector<16xi32>
          %parallel_loop3A_144 = arith.addi %parallel_loop3A_143, %iota3A : vector<16xi32>
          %parallel_loop3A_145 = arith.constant 16 : i32
          %parallel_loop3A_146 = arith.muli %parallel_loop3A_140, %parallel_loop3A_145 : i32
          %parallel_loop3A_147 = arith.constant 0 : i32
          %parallel_loop3A_148 = arith.addi %parallel_loop3A_147, %parallel_loop3A_146 : i32
          %parallel_loop3A_149 = tpu.assume_multiple %parallel_loop3A_148, 16 : i32
          %parallel_loop3A_150 = arith.index_cast %parallel_loop3A_149 : i32 to index
          %parallel_loop3A_151 = tpu.vector_load %arg9[%parallel_loop3A_150] {strides = array<i32>} : memref<512xi32, #tpu.memory_space<vmem>>, vector<16xi32>,
          %parallel_loop3A_152 = arith.index_cast %parallel_loop3A_149 : i32 to index
          %parallel_loop3A_153 = tpu.vector_load %arg10[%parallel_loop3A_152] {strides = array<i32>} : memref<512xi32, #tpu.memory_space<vmem>>, vector<16xi32>,
          %parallel_loop3A_154 = arith.index_cast %parallel_loop3A_149 : i32 to index
          %parallel_loop3A_155 = tpu.vector_load %arg11[%parallel_loop3A_154] {strides = array<i32>} : memref<512xi32, #tpu.memory_space<vmem>>, vector<16xi32>,
          %parallel_loop3A_156 = arith.constant 0 : i32
          %parallel_loop3A_157 = vector.broadcast %parallel_loop3A_156 : i32 to vector<16xi32>
          %parallel_loop3A_158 = arith.maxsi %parallel_loop3A_151, %parallel_loop3A_157 : vector<16xi32>
          %parallel_loop3A_159 = arith.constant 4 : i32
          %parallel_loop3A_160 = vector.broadcast %parallel_loop3A_159 : i32 to vector<16xi32>
          %parallel_loop3A_161 = arith.minsi %parallel_loop3A_158, %parallel_loop3A_160 : vector<16xi32>
          %parallel_loop3A_162 = arith.constant 0 : i32
          %parallel_loop3A_163 = vector.broadcast %parallel_loop3A_162 : i32 to vector<16xi32>
          %parallel_loop3A_164 = arith.maxsi %parallel_loop3A_153, %parallel_loop3A_163 : vector<16xi32>
          %parallel_loop3A_165 = arith.constant 5 : i32
          %parallel_loop3A_166 = vector.broadcast %parallel_loop3A_165 : i32 to vector<16xi32>
          %parallel_loop3A_167 = arith.minsi %parallel_loop3A_164, %parallel_loop3A_166 : vector<16xi32>
          %parallel_loop3A_168 = arith.constant 0 : i32
          %parallel_loop3A_169 = vector.broadcast %parallel_loop3A_168 : i32 to vector<16xi32>
          %parallel_loop3A_170 = arith.maxsi %parallel_loop3A_155, %parallel_loop3A_169 : vector<16xi32>
          %parallel_loop3A_171 = arith.constant 1 : i32
          %parallel_loop3A_172 = vector.broadcast %parallel_loop3A_171 : i32 to vector<16xi32>
          %parallel_loop3A_173 = arith.minsi %parallel_loop3A_170, %parallel_loop3A_172 : vector<16xi32>
          %parallel_loop3A_174 = arith.constant 12 : i32
          %parallel_loop3A_175 = vector.broadcast %parallel_loop3A_174 : i32 to vector<16xi32>
          %parallel_loop3A_176 = arith.muli %parallel_loop3A_161, %parallel_loop3A_175 : vector<16xi32>
          %parallel_loop3A_177 = arith.constant 2 : i32
          %parallel_loop3A_178 = vector.broadcast %parallel_loop3A_177 : i32 to vector<16xi32>
          %parallel_loop3A_179 = arith.muli %parallel_loop3A_167, %parallel_loop3A_178 : vector<16xi32>
          %parallel_loop3A_180 = arith.addi %parallel_loop3A_176, %parallel_loop3A_179 : vector<16xi32>
          %parallel_loop3A_181 = arith.addi %parallel_loop3A_180, %parallel_loop3A_173 : vector<16xi32>
          %parallel_loop3A_182 = arith.constant 128 : i32
          %parallel_loop3A_183 = vector.broadcast %parallel_loop3A_182 : i32 to vector<16xi32>
          %parallel_loop3A_184 = arith.muli %parallel_loop3A_181, %parallel_loop3A_183 : vector<16xi32>
          %parallel_loop3A_185 = arith.constant 0 : i32
          %parallel_loop3A_186 = arith.constant 128 : i32
          %parallel_loop3A_187 = arith.constant 1 : i32
          scf.for %parallel_loop3A_188 = %parallel_loop3A_185 to %parallel_loop3A_186 step %parallel_loop3A_187  : i32 {
            %parallel_loop3A_189 = vector.broadcast %parallel_loop3A_188 : i32 to vector<16xi32>
            %parallel_loop3A_190 = arith.addi %iota3A, %parallel_loop3A_189 : vector<16xi32>
            %parallel_loop3A_191 = arith.constant 127 : i32
            %parallel_loop3A_192 = vector.broadcast %parallel_loop3A_191 : i32 to vector<16xi32>
            %parallel_loop3A_193 = arith.andi %parallel_loop3A_190, %parallel_loop3A_192 : vector<16xi32>
            %parallel_loop3A_194 = arith.addi %parallel_loop3A_184, %parallel_loop3A_193 : vector<16xi32>
            %parallel_loop3A_195 = tpu.vector_load_idx %arg16[%parallel_loop3A_194] : memref<7680xf32, #tpu.memory_space<vmem>>[vector<16xi32>], vector<16xf32>,
            %parallel_loop3A_196 = arith.constant 0 : i32
            %parallel_loop3A_197 = vector.broadcast %parallel_loop3A_196 : i32 to vector<16xi32>
            %parallel_loop3A_198 = arith.addi %parallel_loop3A_197, %parallel_loop3A_144 : vector<16xi32>
            tpu.vector_store_idx %arg12[%parallel_loop3A_198, %parallel_loop3A_193], %parallel_loop3A_195 : memref<512x128xf32, #tpu.memory_space<vmem>>[vector<16xi32>, vector<16xi32>], vector<16xf32>,
          } {sc.loop_unroll_factor = 8 : i64, sc.parallel_access}
        } {sc.loop_unroll_factor = 1 : i64, sc.parallel_access}
        %dma_start3A = arith.constant 0 : i32
        %dma_start3A_131 = arith.constant 0 : i32
        %dma_start3A_132 = tpu.memref_slice %arg12[%dma_start3A, %dma_start3A_131] : memref<512x128xf32, #tpu.memory_space<vmem>> -> memref<256x128xf32, #tpu.memory_space<vmem>>
        %dma_start3A_133 = arith.constant 0 : i32
        %dma_start3A_134 = tpu.memref_slice %arg8[%mul3A_95, %dma_start3A_133] : memref<320000x128xf32, #tpu.memory_space<hbm>> -> memref<256x128xf32, #tpu.memory_space<hbm>>
        %dma_start3A_135 = arith.constant 0 : i32
        %dma_start3A_136 = tpu.memref_slice %arg8[%mul3A_95, %dma_start3A_135] : memref<320000x128xf32, #tpu.memory_space<hbm>> -> memref<256x128xf32, #tpu.memory_space<hbm>>
        %dma_start3A_137 = arith.constant 0 : i32
        %dma_start3A_138 = arith.constant 0 : i32
        %dma_start3A_139 = tpu.memref_slice %arg12[%dma_start3A_137, %dma_start3A_138] : memref<512x128xf32, #tpu.memory_space<vmem>> -> memref<256x128xf32, #tpu.memory_space<vmem>>
        tpu.enqueue_dma source(%dma_start3A_139 : memref<256x128xf32, #tpu.memory_space<vmem>>) target(%dma_start3A_136 : memref<256x128xf32, #tpu.memory_space<hbm>>) target_semaphore(%arg19 : memref<!tpu.dma_semaphore, #tpu.memory_space<semaphore_mem>>)
      } else {
      }
      %mul3A_83 = arith.constant 2 : i32
      %mul3A_84 = arith.muli %mul3A_83, %while3A_75 : i32
      %add3A_85 = arith.constant 1 : i32
      %add3A_86 = arith.addi %mul3A_84, %add3A_85 : i32
      %lt3A_87 = arith.cmpi slt, %add3A_86, %select_n3A : i32
      %convert_element_type3A_88 = arith.extui %lt3A_87 : i1 to i32
      %cond3A_89 = arith.constant 0 : i32
      %cond3A_90 = arith.cmpi ne, %convert_element_type3A_88, %cond3A_89 : i32
      scf.if %cond3A_90 {
        %mul3A_91 = arith.constant 32 : i32
        %mul3A_92 = arith.muli %add3A_86, %mul3A_91 : i32
        %add3A_93 = arith.addi %add3A, %mul3A_92 : i32
        %mul3A_94 = arith.constant 256 : i32
        %mul3A_95 = arith.muli %add3A_93, %mul3A_94 : i32
        %dma_wait3A = arith.constant 256 : i32
        %dma_wait3A_96 = tpu.memref_slice %arg9[%dma_wait3A] : memref<512xi32, #tpu.memory_space<vmem>> -> memref<256xi32, #tpu.memory_space<vmem>>
        %dma_wait3A_97 = arith.constant 0 : i32
        %dma_wait3A_98 = tpu.memref_slice %arg2[%dma_wait3A_97] : memref<320000xi32, #tpu.memory_space<hbm>> -> memref<256xi32, #tpu.memory_space<hbm>>
        %dma_wait3A_99 = arith.constant 256 : i32
        %dma_wait3A_100 = tpu.memref_slice %arg9[%dma_wait3A_99] : memref<512xi32, #tpu.memory_space<vmem>> -> memref<256xi32, #tpu.memory_space<vmem>>
        %dma_wait3A_101 = arith.constant 0 : i32
        %dma_wait3A_102 = tpu.memref_slice %arg2[%dma_wait3A_101] : memref<320000xi32, #tpu.memory_space<hbm>> -> memref<256xi32, #tpu.memory_space<hbm>>
        tpu.wait_dma2 semaphore(%arg18 : memref<!tpu.dma_semaphore, #tpu.memory_space<semaphore_mem>>) src(%dma_wait3A_102 : memref<256xi32, #tpu.memory_space<hbm>>) dst(%dma_wait3A_100 : memref<256xi32, #tpu.memory_space<vmem>>)
        %dma_wait3A_103 = arith.constant 256 : i32
        %dma_wait3A_104 = tpu.memref_slice %arg10[%dma_wait3A_103] : memref<512xi32, #tpu.memory_space<vmem>> -> memref<256xi32, #tpu.memory_space<vmem>>
        %dma_wait3A_105 = arith.constant 0 : i32
        %dma_wait3A_106 = tpu.memref_slice %arg2[%dma_wait3A_105] : memref<320000xi32, #tpu.memory_space<hbm>> -> memref<256xi32, #tpu.memory_space<hbm>>
        %dma_wait3A_107 = arith.constant 256 : i32
        %dma_wait3A_108 = tpu.memref_slice %arg10[%dma_wait3A_107] : memref<512xi32, #tpu.memory_space<vmem>> -> memref<256xi32, #tpu.memory_space<vmem>>
        %dma_wait3A_109 = arith.constant 0 : i32
        %dma_wait3A_110 = tpu.memref_slice %arg2[%dma_wait3A_109] : memref<320000xi32, #tpu.memory_space<hbm>> -> memref<256xi32, #tpu.memory_space<hbm>>
        tpu.wait_dma2 semaphore(%arg18 : memref<!tpu.dma_semaphore, #tpu.memory_space<semaphore_mem>>) src(%dma_wait3A_110 : memref<256xi32, #tpu.memory_space<hbm>>) dst(%dma_wait3A_108 : memref<256xi32, #tpu.memory_space<vmem>>)
        %dma_wait3A_111 = arith.constant 256 : i32
        %dma_wait3A_112 = tpu.memref_slice %arg11[%dma_wait3A_111] : memref<512xi32, #tpu.memory_space<vmem>> -> memref<256xi32, #tpu.memory_space<vmem>>
        %dma_wait3A_113 = arith.constant 0 : i32
        %dma_wait3A_114 = tpu.memref_slice %arg2[%dma_wait3A_113] : memref<320000xi32, #tpu.memory_space<hbm>> -> memref<256xi32, #tpu.memory_space<hbm>>
        %dma_wait3A_115 = arith.constant 256 : i32
        %dma_wait3A_116 = tpu.memref_slice %arg11[%dma_wait3A_115] : memref<512xi32, #tpu.memory_space<vmem>> -> memref<256xi32, #tpu.memory_space<vmem>>
        %dma_wait3A_117 = arith.constant 0 : i32
        %dma_wait3A_118 = tpu.memref_slice %arg2[%dma_wait3A_117] : memref<320000xi32, #tpu.memory_space<hbm>> -> memref<256xi32, #tpu.memory_space<hbm>>
        tpu.wait_dma2 semaphore(%arg18 : memref<!tpu.dma_semaphore, #tpu.memory_space<semaphore_mem>>) src(%dma_wait3A_118 : memref<256xi32, #tpu.memory_space<hbm>>) dst(%dma_wait3A_116 : memref<256xi32, #tpu.memory_space<vmem>>)
        %add3A_119 = arith.constant 1 : i32
        %add3A_120 = arith.addi %add3A_86, %add3A_119 : i32
        %lt3A_121 = arith.cmpi slt, %add3A_120, %select_n3A : i32
        %convert_element_type3A_122 = arith.extui %lt3A_121 : i1 to i32
        %cond3A_123 = arith.constant 0 : i32
        %cond3A_124 = arith.cmpi ne, %convert_element_type3A_122, %cond3A_123 : i32
        scf.if %cond3A_124 {
          %add3A_140 = arith.constant 1 : i32
          %add3A_141 = arith.addi %add3A_86, %add3A_140 : i32
          %mul3A_142 = arith.constant 32 : i32
          %mul3A_143 = arith.muli %add3A_141, %mul3A_142 : i32
          %add3A_144 = arith.addi %add3A, %mul3A_143 : i32
          %mul3A_145 = arith.constant 256 : i32
          %mul3A_146 = arith.muli %add3A_144, %mul3A_145 : i32
          %dma_start3A_147 = arith.constant 0 : i32
          %dma_start3A_148 = tpu.memref_slice %arg9[%dma_start3A_147] : memref<512xi32, #tpu.memory_space<vmem>> -> memref<256xi32, #tpu.memory_space<vmem>>
          %dma_start3A_149 = tpu.memref_slice %arg2[%mul3A_146] : memref<320000xi32, #tpu.memory_space<hbm>> -> memref<256xi32, #tpu.memory_space<hbm>>
          %dma_start3A_150 = arith.constant 0 : i32
          %dma_start3A_151 = tpu.memref_slice %arg9[%dma_start3A_150] : memref<512xi32, #tpu.memory_space<vmem>> -> memref<256xi32, #tpu.memory_space<vmem>>
          %dma_start3A_152 = tpu.memref_slice %arg2[%mul3A_146] : memref<320000xi32, #tpu.memory_space<hbm>> -> memref<256xi32, #tpu.memory_space<hbm>>
          tpu.enqueue_dma source(%dma_start3A_152 : memref<256xi32, #tpu.memory_space<hbm>>) target(%dma_start3A_151 : memref<256xi32, #tpu.memory_space<vmem>>) target_semaphore(%arg17 : memref<!tpu.dma_semaphore, #tpu.memory_space<semaphore_mem>>)
          %dma_start3A_153 = arith.constant 0 : i32
          %dma_start3A_154 = tpu.memref_slice %arg10[%dma_start3A_153] : memref<512xi32, #tpu.memory_space<vmem>> -> memref<256xi32, #tpu.memory_space<vmem>>
          %dma_start3A_155 = tpu.memref_slice %arg3[%mul3A_146] : memref<320000xi32, #tpu.memory_space<hbm>> -> memref<256xi32, #tpu.memory_space<hbm>>
          %dma_start3A_156 = arith.constant 0 : i32
          %dma_start3A_157 = tpu.memref_slice %arg10[%dma_start3A_156] : memref<512xi32, #tpu.memory_space<vmem>> -> memref<256xi32, #tpu.memory_space<vmem>>
          %dma_start3A_158 = tpu.memref_slice %arg3[%mul3A_146] : memref<320000xi32, #tpu.memory_space<hbm>> -> memref<256xi32, #tpu.memory_space<hbm>>
          tpu.enqueue_dma source(%dma_start3A_158 : memref<256xi32, #tpu.memory_space<hbm>>) target(%dma_start3A_157 : memref<256xi32, #tpu.memory_space<vmem>>) target_semaphore(%arg17 : memref<!tpu.dma_semaphore, #tpu.memory_space<semaphore_mem>>)
          %dma_start3A_159 = arith.constant 0 : i32
          %dma_start3A_160 = tpu.memref_slice %arg11[%dma_start3A_159] : memref<512xi32, #tpu.memory_space<vmem>> -> memref<256xi32, #tpu.memory_space<vmem>>
          %dma_start3A_161 = tpu.memref_slice %arg4[%mul3A_146] : memref<320000xi32, #tpu.memory_space<hbm>> -> memref<256xi32, #tpu.memory_space<hbm>>
          %dma_start3A_162 = arith.constant 0 : i32
          %dma_start3A_163 = tpu.memref_slice %arg11[%dma_start3A_162] : memref<512xi32, #tpu.memory_space<vmem>> -> memref<256xi32, #tpu.memory_space<vmem>>
          %dma_start3A_164 = tpu.memref_slice %arg4[%mul3A_146] : memref<320000xi32, #tpu.memory_space<hbm>> -> memref<256xi32, #tpu.memory_space<hbm>>
          tpu.enqueue_dma source(%dma_start3A_164 : memref<256xi32, #tpu.memory_space<hbm>>) target(%dma_start3A_163 : memref<256xi32, #tpu.memory_space<vmem>>) target_semaphore(%arg17 : memref<!tpu.dma_semaphore, #tpu.memory_space<semaphore_mem>>)
        } else {
        }
        %ge3A = arith.constant 2 : i32
        %ge3A_125 = arith.cmpi sge, %add3A_86, %ge3A : i32
        %convert_element_type3A_126 = arith.extui %ge3A_125 : i1 to i32
        %cond3A_127 = arith.constant 0 : i32
        %cond3A_128 = arith.cmpi ne, %convert_element_type3A_126, %cond3A_127 : i32
        scf.if %cond3A_128 {
          %dma_wait3A_140 = arith.constant 256 : i32
          %dma_wait3A_141 = arith.constant 0 : i32
          %dma_wait3A_142 = tpu.memref_slice %arg12[%dma_wait3A_140, %dma_wait3A_141] : memref<512x128xf32, #tpu.memory_space<vmem>> -> memref<256x128xf32, #tpu.memory_space<vmem>>
          %dma_wait3A_143 = arith.constant 0 : i32
          %dma_wait3A_144 = arith.constant 0 : i32
          %dma_wait3A_145 = tpu.memref_slice %arg8[%dma_wait3A_143, %dma_wait3A_144] : memref<320000x128xf32, #tpu.memory_space<hbm>> -> memref<256x128xf32, #tpu.memory_space<hbm>>
          %dma_wait3A_146 = arith.constant 0 : i32
          %dma_wait3A_147 = arith.constant 0 : i32
          %dma_wait3A_148 = tpu.memref_slice %arg8[%dma_wait3A_146, %dma_wait3A_147] : memref<320000x128xf32, #tpu.memory_space<hbm>> -> memref<256x128xf32, #tpu.memory_space<hbm>>
          %dma_wait3A_149 = arith.constant 256 : i32
          %dma_wait3A_150 = arith.constant 0 : i32
          %dma_wait3A_151 = tpu.memref_slice %arg12[%dma_wait3A_149, %dma_wait3A_150] : memref<512x128xf32, #tpu.memory_space<vmem>> -> memref<256x128xf32, #tpu.memory_space<vmem>>
          tpu.wait_dma2 semaphore(%arg20 : memref<!tpu.dma_semaphore, #tpu.memory_space<semaphore_mem>>) src(%dma_wait3A_151 : memref<256x128xf32, #tpu.memory_space<vmem>>) dst(%dma_wait3A_148 : memref<256x128xf32, #tpu.memory_space<hbm>>)
        } else {
        }
        %parallel_loop3A = arith.constant 0 : i32
        %parallel_loop3A_129 = arith.constant 16 : i32
        %parallel_loop3A_130 = arith.constant 1 : i32
        scf.for %parallel_loop3A_140 = %parallel_loop3A to %parallel_loop3A_129 step %parallel_loop3A_130  : i32 {
          %parallel_loop3A_141 = arith.constant 16 : i32
          %parallel_loop3A_142 = arith.muli %parallel_loop3A_140, %parallel_loop3A_141 : i32
          %parallel_loop3A_143 = vector.broadcast %parallel_loop3A_142 : i32 to vector<16xi32>
          %parallel_loop3A_144 = arith.addi %parallel_loop3A_143, %iota3A : vector<16xi32>
          %parallel_loop3A_145 = arith.constant 16 : i32
          %parallel_loop3A_146 = arith.muli %parallel_loop3A_140, %parallel_loop3A_145 : i32
          %parallel_loop3A_147 = arith.constant 256 : i32
          %parallel_loop3A_148 = arith.addi %parallel_loop3A_147, %parallel_loop3A_146 : i32
          %parallel_loop3A_149 = tpu.assume_multiple %parallel_loop3A_148, 16 : i32
          %parallel_loop3A_150 = arith.index_cast %parallel_loop3A_149 : i32 to index
          %parallel_loop3A_151 = tpu.vector_load %arg9[%parallel_loop3A_150] {strides = array<i32>} : memref<512xi32, #tpu.memory_space<vmem>>, vector<16xi32>,
          %parallel_loop3A_152 = arith.index_cast %parallel_loop3A_149 : i32 to index
          %parallel_loop3A_153 = tpu.vector_load %arg10[%parallel_loop3A_152] {strides = array<i32>} : memref<512xi32, #tpu.memory_space<vmem>>, vector<16xi32>,
          %parallel_loop3A_154 = arith.index_cast %parallel_loop3A_149 : i32 to index
          %parallel_loop3A_155 = tpu.vector_load %arg11[%parallel_loop3A_154] {strides = array<i32>} : memref<512xi32, #tpu.memory_space<vmem>>, vector<16xi32>,
          %parallel_loop3A_156 = arith.constant 0 : i32
          %parallel_loop3A_157 = vector.broadcast %parallel_loop3A_156 : i32 to vector<16xi32>
          %parallel_loop3A_158 = arith.maxsi %parallel_loop3A_151, %parallel_loop3A_157 : vector<16xi32>
          %parallel_loop3A_159 = arith.constant 4 : i32
          %parallel_loop3A_160 = vector.broadcast %parallel_loop3A_159 : i32 to vector<16xi32>
          %parallel_loop3A_161 = arith.minsi %parallel_loop3A_158, %parallel_loop3A_160 : vector<16xi32>
          %parallel_loop3A_162 = arith.constant 0 : i32
          %parallel_loop3A_163 = vector.broadcast %parallel_loop3A_162 : i32 to vector<16xi32>
          %parallel_loop3A_164 = arith.maxsi %parallel_loop3A_153, %parallel_loop3A_163 : vector<16xi32>
          %parallel_loop3A_165 = arith.constant 5 : i32
          %parallel_loop3A_166 = vector.broadcast %parallel_loop3A_165 : i32 to vector<16xi32>
          %parallel_loop3A_167 = arith.minsi %parallel_loop3A_164, %parallel_loop3A_166 : vector<16xi32>
          %parallel_loop3A_168 = arith.constant 0 : i32
          %parallel_loop3A_169 = vector.broadcast %parallel_loop3A_168 : i32 to vector<16xi32>
          %parallel_loop3A_170 = arith.maxsi %parallel_loop3A_155, %parallel_loop3A_169 : vector<16xi32>
          %parallel_loop3A_171 = arith.constant 1 : i32
          %parallel_loop3A_172 = vector.broadcast %parallel_loop3A_171 : i32 to vector<16xi32>
          %parallel_loop3A_173 = arith.minsi %parallel_loop3A_170, %parallel_loop3A_172 : vector<16xi32>
          %parallel_loop3A_174 = arith.constant 12 : i32
          %parallel_loop3A_175 = vector.broadcast %parallel_loop3A_174 : i32 to vector<16xi32>
          %parallel_loop3A_176 = arith.muli %parallel_loop3A_161, %parallel_loop3A_175 : vector<16xi32>
          %parallel_loop3A_177 = arith.constant 2 : i32
          %parallel_loop3A_178 = vector.broadcast %parallel_loop3A_177 : i32 to vector<16xi32>
          %parallel_loop3A_179 = arith.muli %parallel_loop3A_167, %parallel_loop3A_178 : vector<16xi32>
          %parallel_loop3A_180 = arith.addi %parallel_loop3A_176, %parallel_loop3A_179 : vector<16xi32>
          %parallel_loop3A_181 = arith.addi %parallel_loop3A_180, %parallel_loop3A_173 : vector<16xi32>
          %parallel_loop3A_182 = arith.constant 128 : i32
          %parallel_loop3A_183 = vector.broadcast %parallel_loop3A_182 : i32 to vector<16xi32>
          %parallel_loop3A_184 = arith.muli %parallel_loop3A_181, %parallel_loop3A_183 : vector<16xi32>
          %parallel_loop3A_185 = arith.constant 0 : i32
          %parallel_loop3A_186 = arith.constant 128 : i32
          %parallel_loop3A_187 = arith.constant 1 : i32
          scf.for %parallel_loop3A_188 = %parallel_loop3A_185 to %parallel_loop3A_186 step %parallel_loop3A_187  : i32 {
            %parallel_loop3A_189 = vector.broadcast %parallel_loop3A_188 : i32 to vector<16xi32>
            %parallel_loop3A_190 = arith.addi %iota3A, %parallel_loop3A_189 : vector<16xi32>
            %parallel_loop3A_191 = arith.constant 127 : i32
            %parallel_loop3A_192 = vector.broadcast %parallel_loop3A_191 : i32 to vector<16xi32>
            %parallel_loop3A_193 = arith.andi %parallel_loop3A_190, %parallel_loop3A_192 : vector<16xi32>
            %parallel_loop3A_194 = arith.addi %parallel_loop3A_184, %parallel_loop3A_193 : vector<16xi32>
            %parallel_loop3A_195 = tpu.vector_load_idx %arg16[%parallel_loop3A_194] : memref<7680xf32, #tpu.memory_space<vmem>>[vector<16xi32>], vector<16xf32>,
            %parallel_loop3A_196 = arith.constant 256 : i32
            %parallel_loop3A_197 = vector.broadcast %parallel_loop3A_196 : i32 to vector<16xi32>
            %parallel_loop3A_198 = arith.addi %parallel_loop3A_197, %parallel_loop3A_144 : vector<16xi32>
            tpu.vector_store_idx %arg12[%parallel_loop3A_198, %parallel_loop3A_193], %parallel_loop3A_195 : memref<512x128xf32, #tpu.memory_space<vmem>>[vector<16xi32>, vector<16xi32>], vector<16xf32>,
          } {sc.loop_unroll_factor = 8 : i64, sc.parallel_access}
        } {sc.loop_unroll_factor = 1 : i64, sc.parallel_access}
        %dma_start3A = arith.constant 256 : i32
        %dma_start3A_131 = arith.constant 0 : i32
        %dma_start3A_132 = tpu.memref_slice %arg12[%dma_start3A, %dma_start3A_131] : memref<512x128xf32, #tpu.memory_space<vmem>> -> memref<256x128xf32, #tpu.memory_space<vmem>>
        %dma_start3A_133 = arith.constant 0 : i32
        %dma_start3A_134 = tpu.memref_slice %arg8[%mul3A_95, %dma_start3A_133] : memref<320000x128xf32, #tpu.memory_space<hbm>> -> memref<256x128xf32, #tpu.memory_space<hbm>>
        %dma_start3A_135 = arith.constant 0 : i32
        %dma_start3A_136 = tpu.memref_slice %arg8[%mul3A_95, %dma_start3A_135] : memref<320000x128xf32, #tpu.memory_space<hbm>> -> memref<256x128xf32, #tpu.memory_space<hbm>>
        %dma_start3A_137 = arith.constant 256 : i32
        %dma_start3A_138 = arith.constant 0 : i32
        %dma_start3A_139 = tpu.memref_slice %arg12[%dma_start3A_137, %dma_start3A_138] : memref<512x128xf32, #tpu.memory_space<vmem>> -> memref<256x128xf32, #tpu.memory_space<vmem>>
        tpu.enqueue_dma source(%dma_start3A_139 : memref<256x128xf32, #tpu.memory_space<vmem>>) target(%dma_start3A_136 : memref<256x128xf32, #tpu.memory_space<hbm>>) target_semaphore(%arg20 : memref<!tpu.dma_semaphore, #tpu.memory_space<semaphore_mem>>)
      } else {
      }
    }
    %gt3A_65 = arith.constant 0 : i32
    %gt3A_66 = arith.cmpi sgt, %select_n3A, %gt3A_65 : i32
    %convert_element_type3A_67 = arith.extui %gt3A_66 : i1 to i32
    %cond3A_68 = arith.constant 0 : i32
    %cond3A_69 = arith.cmpi ne, %convert_element_type3A_67, %cond3A_68 : i32
    scf.if %cond3A_69 {
      %dma_wait3A = arith.constant 0 : i32
      %dma_wait3A_75 = arith.constant 0 : i32
      %dma_wait3A_76 = tpu.memref_slice %arg12[%dma_wait3A, %dma_wait3A_75] : memref<512x128xf32, #tpu.memory_space<vmem>> -> memref<256x128xf32, #tpu.memory_space<vmem>>
      %dma_wait3A_77 = arith.constant 0 : i32
      %dma_wait3A_78 = arith.constant 0 : i32
      %dma_wait3A_79 = tpu.memref_slice %arg8[%dma_wait3A_77, %dma_wait3A_78] : memref<320000x128xf32, #tpu.memory_space<hbm>> -> memref<256x128xf32, #tpu.memory_space<hbm>>
      %dma_wait3A_80 = arith.constant 0 : i32
      %dma_wait3A_81 = arith.constant 0 : i32
      %dma_wait3A_82 = tpu.memref_slice %arg8[%dma_wait3A_80, %dma_wait3A_81] : memref<320000x128xf32, #tpu.memory_space<hbm>> -> memref<256x128xf32, #tpu.memory_space<hbm>>
      %dma_wait3A_83 = arith.constant 0 : i32
      %dma_wait3A_84 = arith.constant 0 : i32
      %dma_wait3A_85 = tpu.memref_slice %arg12[%dma_wait3A_83, %dma_wait3A_84] : memref<512x128xf32, #tpu.memory_space<vmem>> -> memref<256x128xf32, #tpu.memory_space<vmem>>
      tpu.wait_dma2 semaphore(%arg19 : memref<!tpu.dma_semaphore, #tpu.memory_space<semaphore_mem>>) src(%dma_wait3A_85 : memref<256x128xf32, #tpu.memory_space<vmem>>) dst(%dma_wait3A_82 : memref<256x128xf32, #tpu.memory_space<hbm>>)
    } else {
    }
    %gt3A_70 = arith.constant 1 : i32
    %gt3A_71 = arith.cmpi sgt, %select_n3A, %gt3A_70 : i32
    %convert_element_type3A_72 = arith.extui %gt3A_71 : i1 to i32
    %cond3A_73 = arith.constant 0 : i32
    %cond3A_74 = arith.cmpi ne, %convert_element_type3A_72, %cond3A_73 : i32
    scf.if %cond3A_74 {
      %dma_wait3A = arith.constant 256 : i32
      %dma_wait3A_75 = arith.constant 0 : i32
      %dma_wait3A_76 = tpu.memref_slice %arg12[%dma_wait3A, %dma_wait3A_75] : memref<512x128xf32, #tpu.memory_space<vmem>> -> memref<256x128xf32, #tpu.memory_space<vmem>>
      %dma_wait3A_77 = arith.constant 0 : i32
      %dma_wait3A_78 = arith.constant 0 : i32
      %dma_wait3A_79 = tpu.memref_slice %arg8[%dma_wait3A_77, %dma_wait3A_78] : memref<320000x128xf32, #tpu.memory_space<hbm>> -> memref<256x128xf32, #tpu.memory_space<hbm>>
      %dma_wait3A_80 = arith.constant 0 : i32
      %dma_wait3A_81 = arith.constant 0 : i32
      %dma_wait3A_82 = tpu.memref_slice %arg8[%dma_wait3A_80, %dma_wait3A_81] : memref<320000x128xf32, #tpu.memory_space<hbm>> -> memref<256x128xf32, #tpu.memory_space<hbm>>
      %dma_wait3A_83 = arith.constant 256 : i32
      %dma_wait3A_84 = arith.constant 0 : i32
      %dma_wait3A_85 = tpu.memref_slice %arg12[%dma_wait3A_83, %dma_wait3A_84] : memref<512x128xf32, #tpu.memory_space<vmem>> -> memref<256x128xf32, #tpu.memory_space<vmem>>
      tpu.wait_dma2 semaphore(%arg20 : memref<!tpu.dma_semaphore, #tpu.memory_space<semaphore_mem>>) src(%dma_wait3A_85 : memref<256x128xf32, #tpu.memory_space<vmem>>) dst(%dma_wait3A_82 : memref<256x128xf32, #tpu.memory_space<hbm>>)
    } else {
    }
    return
  }
}

</mosaic_0001>

<sc_bundles>
// kernel: kernel.3.cloned.1.call-start
scs
__scs_entry_jumppad:
0x0: {  	(pc) =	sbr.rel $0x88, $3  }
0x1: {  	(tag) =	ssettag $0x0;
	lr =	simm.s32 $0x1  }
0x2: {  	[smem:$0x3F9D] =	sst lr;
	_ =	strace $0xD0000000  }
0x3: {  	_ = 	snop  }
0x4: {  	_ = 	snop  }
0x5: {  	_ = 	snop  }
0x6: {  	_ = 	snop  }
0x7: {  	_ = 	snop  }
__scs_overlays_trampoline_lowered:
0x8: {  	[smem:$0x3FAC] =	sst s0  }
0x9: {  	[smem:$0x3FAD] =	sst s1  }
0xa: {  	[smem:$0x3FAE] =	sst s2  }
0xb: {  	[smem:$0x3FAF] =	sst s3  }
0xc: {  	[smem:$0x3FB0] =	sst s4  }
0xd: {  	[smem:$0x3FB1] =	sst s5  }
0xe: {  	[smem:$0x3FB2] =	sst s6  }
0xf: {  	[smem:$0x3FB3] =	sst s7  }
0x10: {  	[smem:$0x3FB4] =	sst s8  }
0x11: {  	[smem:$0x3FB5] =	sst s9;
	s0 =	simm.s32 @!p0 $0x0  }
0x12: {  	s1 =	sld [smem:$0x3F9B];
	s0 =	simm.s32 @p0 $0x1  }
0x13: {  	[smem:$0x3FB6] =	sst s0;
	s0 =	simm.s32 @!p1 $0x0  }
0x14: {  	s2 =	sld [smem:$0x3F9A];
	s0 =	simm.s32 @p1 $0x1  }
0x15: {  	[smem:$0x3FB7] =	sst s0;
	s0 =	simm.s32 @!p2 $0x0  }
0x16: {  	s3 =	sld [smem:$0x3FDB];
	s0 =	simm.s32 @p2 $0x1  }
0x17: {  	s4 =	simm.s32 $0x1BF5;
	[smem:$0x3FB9] =	sst s0  }
0x18: {  	s0 =	sld [smem:$0x3F9C];
	_ =	swait.ge [sflag:s4], $0x0  }
0x19: {  	s7 =	sld [smem:$0x3F9D]  }
0x1a: {  	s8 =	sadd.s32 $0xFFFFE003, lr  }
0x1b: {  	s9 =	sadd.s32 $0xFFFFFEF7, lr;
	s5 =	simm.s32 $0xFFFFFFFF;
	p2 =	slt.u32 s8, $0xFFFFF086  }
0x1c: {  	p1 =	slt.u32 s9, $0xF7A;
	s5 =	simm.s32 @!p2 $0x0  }
0x1d: {  	s5 =	simm.s32 @p1 $0x1;
	p0 =	seq.s32 s7, s2  }
0x1e: {  	s7 =	smul.u32 @!p0 $0xF7A, s2;
	p2 =	seq.s32 @!p0 s5, $0x0  }
0x1f: {  	s9 =	smul.u32 $0xF7A, s1;
	s8 =	simm.s32 @!p0 $0x1BF5;
	p2 =	por !p2, p0  }
0x20: {  	[sflag:s8] =	ssyncset.s32 @!p0 $0xFFFFF086;
	s6 =	sadd.s32 @!p0 s3, s7;
	s7 =	simm.s32 @!p0 $0x108  }
0x21: {  	s3 =	sadd.s32 s3, s9;
	s6 =	sadd.s32 @!p0 $0x88, s6;
	s7 =	simm.s32 @p2 $0x1082  }
0x22: {  	[simem:s7], [sflag:s8] =	dma.local @!p0 [hbm:s6], $0xF7A  }
0x23: {  	s9 =	sor.u32 $0xD0000000, s2;
	s6 =	simm.s32 $0x108;
	_ =	swait.ge @!p0 [sflag:s8], $0x0  }
0x24: {  	s3 =	sadd.s32 $0x88, s3;
	s6 =	simm.s32 @!p1 $0x1082;
	[sflag:s4] =	ssyncset.s32 $0xFFFFF086  }
0x25: {  	[simem:s6], [sflag:s4] =	dma.local [hbm:s3], $0xF7A  }
0x26: {  	[smem:$0x3F9D] =	sst s1;
	(tag) =	ssettag s2;
	_ =	strace s9  }
0x27: {  	s1 =	sld [smem:$0x3FAD]  }
0x28: {  	s2 =	sld [smem:$0x3FAE]  }
0x29: {  	s4 =	sld [smem:$0x3FB0]  }
0x2a: {  	p0 =	seq.s32 s5, $0x0;
	s5 =	sld [smem:$0x3FB1]  }
0x2b: {  	s6 =	sld [smem:$0x3FB2]  }
0x2c: {  	s7 =	sld [smem:$0x3FB3]  }
0x2d: {  	s3 =	simm.s32 $0x108;
	s8 =	sld [smem:$0x3FB4]  }
0x2e: {  	s3 =	simm.s32 @!p0 $0x1082;
	s9 =	sld [smem:$0x3FB5]  }
0x2f: {  	lr =	sadd.s32 s0, s3;
	s0 =	sld [smem:$0x3FAC]  }
0x30: {  	s3 =	sld [smem:$0x3FAF]  }
0x31: {  	[smem:$0x3FB8] =	sst s10  }
0x32: {  	s10 =	sld [smem:$0x3FB6];
	_ =	sdelay $0x3  }
0x33: {  	p0 =	seq.s32 s10, $0x1;
	s10 =	sld [smem:$0x3FB8];
	_ =	sdelay $0x3  }
0x34: {  	[smem:$0x3FB8] =	sst s10  }
0x35: {  	s10 =	sld [smem:$0x3FB7];
	_ =	sdelay $0x3  }
0x36: {  	p1 =	seq.s32 s10, $0x1;
	s10 =	sld [smem:$0x3FB8];
	_ =	sdelay $0x3  }
0x37: {  	[smem:$0x3FB8] =	sst s10  }
0x38: {  	s10 =	sld [smem:$0x3FB9]  }
0x39: {  	_ = 	snop;
	(pc) =	sbr.ind lr, $3  }
0x3a: {  	_ = 	snop  }
0x3b: {  	_ = 	snop  }
0x3c: {  	p2 =	seq.s32 s10, $0x1;
	s10 =	sld [smem:$0x3FB8]  }
0x3d: {  	_ =	shalt  }
0x3e: {  	_ =	shalt  }
0x3f: {  	_ =	shalt  }
0x40: {  	_ =	shalt  }
0x41: {  	_ =	shalt  }
0x42: {  	_ =	shalt  }
0x43: {  	_ =	shalt  }
0x44: {  	_ =	shalt  }
0x45: {  	_ =	shalt  }
0x46: {  	_ =	shalt  }
0x47: {  	_ =	shalt  }
0x48: {  	_ =	shalt  }
0x49: {  	_ =	shalt  }
0x4a: {  	_ =	shalt  }
0x4b: {  	_ =	shalt  }
0x4c: {  	_ =	shalt  }
0x4d: {  	_ =	shalt  }
0x4e: {  	_ =	shalt  }
0x4f: {  	_ =	shalt  }
0x50: {  	_ =	shalt  }
0x51: {  	_ =	shalt  }
0x52: {  	_ =	shalt  }
0x53: {  	_ =	shalt  }
0x54: {  	_ =	shalt  }
0x55: {  	_ =	shalt  }
0x56: {  	_ =	shalt  }
0x57: {  	_ =	shalt  }
0x58: {  	_ =	shalt  }
0x59: {  	_ =	shalt  }
0x5a: {  	_ =	shalt  }
0x5b: {  	_ =	shalt  }
0x5c: {  	_ =	shalt  }
0x5d: {  	_ =	shalt  }
0x5e: {  	_ =	shalt  }
0x5f: {  	_ =	shalt  }
0x60: {  	_ =	shalt  }
0x61: {  	_ =	shalt  }
0x62: {  	_ =	shalt  }
0x63: {  	_ =	shalt  }
0x64: {  	_ =	shalt  }
0x65: {  	_ =	shalt  }
0x66: {  	_ =	shalt  }
0x67: {  	_ =	shalt  }
0x68: {  	_ =	shalt  }
0x69: {  	_ =	shalt  }
0x6a: {  	_ =	shalt  }
0x6b: {  	_ =	shalt  }
0x6c: {  	_ =	shalt  }
0x6d: {  	_ =	shalt  }
0x6e: {  	_ =	shalt  }
0x6f: {  	_ =	shalt  }
0x70: {  	_ =	shalt  }
0x71: {  	_ =	shalt  }
0x72: {  	_ =	shalt  }
0x73: {  	_ =	shalt  }
0x74: {  	_ =	shalt  }
0x75: {  	_ =	shalt  }
0x76: {  	_ =	shalt  }
0x77: {  	_ =	shalt  }
0x78: {  	_ =	shalt  }
0x79: {  	_ =	shalt  }
0x7a: {  	_ =	shalt  }
0x7b: {  	_ =	shalt  }
0x7c: {  	_ =	shalt  }
0x7d: {  	_ =	shalt  }
0x7e: {  	_ =	shalt  }
0x7f: {  	_ =	shalt  }
0x80: {  	_ =	shalt  }
0x81: {  	_ =	shalt  }
0x82: {  	_ =	shalt  }
0x83: {  	_ =	shalt  }
0x84: {  	_ =	shalt  }
0x85: {  	_ =	shalt  }
0x86: {  	_ =	shalt  }
0x87: {  	_ =	shalt  }
.Lfunc_end0:
.L_simem_size_0:
called_computation_lowered:
.L_overlay_start_0:
0x88: {  	s2 =	sld [smem:$0x3FD9]  }
0x89: {  	s3 =	sld [smem:$0x3FFE];
	_ =	sdelay $0x1  }
0x8a: {  	s1 =	srdreg.scid  }
0x8b: {  	s0 =	sand.u32 $0x1, s1  }
0x8c: {  	s17 =	sshll.u32 s0, $0xA;
	s2 =	sadd.s32 s3, s2  }
0x8d: {  	s2 =	sadd.s32 s2, s17  }
0x8e: {  	[smem:$0x3FC4] =	sst s2  }
0x8f: {  	_ = 	snop  }
0x90: {  	s2 =	sld [smem:$0x3FC8]  }
0x91: {  	s18 =	sld [smem:$0x3FC7]  }
0x92: {  	s4 =	sld [smem:$0x3FC6]  }
0x93: {  	s5 =	sld [smem:$0x3FD0];
	(tm) =	ssettm $0x1  }
0x94: {  	s6 =	sld [smem:$0x3FFB];
	_ =	sdelay $0x3  }
0x95: {  	_ =	strace s6  }
0x96: {  	s6 =	sld [smem:$0x3FFC];
	_ =	sdelay $0x3  }
0x97: {  	_ =	strace s6  }
0x98: {  	s6 =	sld [smem:$0x3FFD];
	_ =	sdelay $0x3  }
0x99: {  	_ =	strace s6  }
0x9a: {  	_ =	strace $0x8FFFFFFF  }
0x9b: {  	s19 =	sld [smem:$0x3FDB];
	_ =	sdelay $0x1  }
0x9c: {  	s7 =	simm.s32 $_scs_section_size  }
0x9d: {  	s8 =	simm.s32 $_size__tile_overlayer_lowered;
	s9 =	simm.s32 $_tile_overlayer_lowered  }
0x9e: {  	s22 =	simm.s32 $0x1BFF;
	s21 =	sshll.u32 s9, $0x1;
	s6 =	sadd.s32 s7, s19  }
0x9f: {  	s10 =	simm.s32 $0x0;
	s20 =	sshll.u32 s8, $0x1;
	s8 =	sadd.s32 s21, s6  }
0xa0: {  	[timem:s10], [sflag:s22] =	dma.local [hbm:s8], s20  }
0xa1: {  	_ =	swait.ge [sflag:s22], s20  }
0xa2: {  	s7 =	ssub.s32 $0x0, s20;
	[sflag:s22] =	ssyncset.done $0x0  }
0xa3: {  	[sflag:s22] =	ssyncadd.s32 s7;
	_ =	sdelay $0x1  }
0xa4: {  	s23 =	simm.s32 $0x1B8B  }
0xa5: {  	_ =	swait.ge [sflag:s23], $0x1  }
0xa6: {  	[sflag:s23] =	ssyncset.done $0x0  }
0xa7: {  	s25 =	simm.s32 $0x1B8E;
	s24 =	sld [smem:$0x3FFE];
	[sflag:s23] =	ssyncadd.s32 $0xFFFFFFFF  }
0xa8: {  	s26 =	simm.s32 $execute0_lowered;
	[smem:$0x3FD2] =	sst s25  }
0xa9: {  	s8 =	sshll.u32 s26, $0x1;
	_ =	strace $0x80000046;
	[dreg:$0x1] =	wrdreg $0xFFFFFFFF  }
0xaa: {  	s28 =	simm.s32 $_size_execute0_lowered;
	s6 =	sadd.s32 s6, s8;
	[dreg:$0x0] =	wrdreg $0x0  }
0xab: {  	s8 =	sshll.u32 s28, $0x1;
	[dreg:$0x2] =	wrdreg s6  }
0xac: {  	[dreg:$0x3] =	wrdreg s8  }
0xad: {  	[dreg:$0x4] =	wrdreg $0xC0  }
0xae: {  	_ =	task [dreg:s10], $0x5FFFF  }
0xaf: {  	[dreg:$0x1] =	wrdreg $0xFFFFFFFF  }
0xb0: {  	[dreg:$0x0] =	wrdreg $0x60  }
0xb1: {  	[dreg:$0x2] =	wrdreg s24  }
0xb2: {  	[dreg:$0x3] =	wrdreg s2  }
0xb3: {  	[dreg:$0x4] =	wrdreg s18  }
0xb4: {  	[dreg:$0x5] =	wrdreg s4  }
0xb5: {  	[dreg:$0x6] =	wrdreg s5  }
0xb6: {  	[dreg:$0x7] =	wrdreg $0x9  }
0xb7: {  	_ =	task.clear_ibuf [dreg:s10], $0x8FFFF;
	_ =	strace $0x90000046  }
0xb8: {  	s29 =	simm.s32 $0x9;
	_ =	strace $0x80000048  }
0xb9: {  	_ =	swait.ge [sflag:s29], $0x1  }
0xba: {  	[sflag:s29] =	ssyncadd.s32 $0xFFFFFFFF  }
0xbb: {  	_ =	strace $0x90000048  }
0xbc: {  	_ =	sfence  }
0xbd: {  	s30 =	sld [smem:$0x0];
	_ =	sdelay $0x2  }
0xbe: {  	s31 =	sshll.u32 s1, $0xD;
	s1 =	sshrl.u32 s1, $0x2  }
0xbf: {  	s3 =	sand.u32 $0x4000, s31;
	s1 =	sadd.s32 s1, s30  }
0xc0: {  	s0 =	sor.u32 s3, s0;
	s1 =	sshll.u32 s1, $0x11  }
0xc1: {  	s0 =	sor.u32 s1, s0  }
0xc2: {  	s0 =	sadd.s32 $0x8F2B, s0  }
0xc3: {  	[sflag:s0] =	ssyncadd.remote.s32 $0x1  }
0xc4: {  	_ =	sfence.sel $0xFFFF  }
0xc5: {  	[dreg:$0x0] =	wrdreg $0xFFFFFFFF;
	(pc) =	sbr.abs _section_cstart, $3  }
0xc6: {  	[dreg:$0x1] =	wrdreg $0xFFFFFFFF  }
0xc7: {  	_ =	task.clear_ibuf [dreg:s10], $0x2FFFF;
	_ =	strace $0x9FFFFFFF  }
0xc8: {  	(tm) =	ssettm $0x7FFFFFFF  }
0xc9: {  	_ =	shalt  }
tec
execute0_lowered:
.L_overlay_start_1:
0x0: {  	(tag) =	ssettag $0x1  }
0x1: {  	s1 =	rddreg [dreg:$0x0]  }
0x2: {  	s0 =	rddreg [dreg:$0x4];
	s6 =	simm.s32 $0x0;
	s2 =	srdreg.scid  }
0x3: {  	s4 =	stileid.u32;
	s17 =	simm.s32 $0x5;
	s20 =	simm.s32 $0x1  }
0x4: {  	s23 =	simm.s32 $0x10C80;
	s24 =	simm.s32 $0x600;
	s25 =	simm.s32 $0x2  }
0x5: {  	s26 =	simm.s32 $0x8600;
	s28 =	simm.s32 $0x3;
	s29 =	simm.s32 $0x4  }
0x6: {  	s30 =	simm.s32 $0x0;
	[smem:$0x7FF] =	sst s6;
	s2 =	sand.u32 $0x1, s2  }
0x7: {  	s7 =	sadd.s32 $0x13C00, s1;
	s4 =	sshll.u32 s4, $0x1;
	s8 =	sadd.s32 $0x9E00, s1  }
.Ltmp0:
0x8: {  	s3 =	ssub.s32 $0x2, s2;
	s2 =	sor.u32 s2, s4;
	(pc) =	sbr.rel .LBB2_1-.Ltmp0, $4  }
0x9: {  	v0 =	vlaneseq.u32;
	_ =	strace $0x80000047;
	s5 =	sshrl.u32 s3, $0x1;
	s4 =	ssub.s32 $0x501, s2  }
0xa: {  	v1 =	vmul.u32 $0x80, v0;
	s9 =	sshll.u32 s2, $0x5;
	s2 =	sshll.u32 s2, $0xC;
	s3 =	ssub.s32 s3, s5  }
0xb: {  	s10 =	sshrl.u32 s4, $0x5;
	s11 =	sadd.s32 s7, s9;
	s12 =	sadd.s32 s8, s9  }
0xc: {  	v2 =	vimm.s32 $0x0;
	v3 =	vor.u32 $0x8000, v1;
	s13 =	sadd.s32 s1, s9;
	s14 =	sadd.s32 s0, s2;
	s15 =	smax.u32 s3, $0x1  }
.LBB2_15:
0xd: {  	s30 =	sadd.s32 $0x1, s30  }
0xe: {  	_ =	swait.ge [sflag:s28], $0x8000;
	p0 =	sne.s32 s30, s15  }
.Ltmp1:
0xf: {  	[sflag:s28] =	ssyncset.done $0x0;
	(pc) =	sbr.rel @!p0 .LBB2_16-.Ltmp1, $4  }
0x10: {  	[sflag:s28] =	ssyncadd.s32 $0xFFFF8000  }
0x11: {  	_ =	swait.ge [sflag:s29], $0x8000  }
0x12: {  	[sflag:s29] =	ssyncset.done $0x0  }
0x13: {  	[sflag:s29] =	ssyncadd.s32 $0xFFFF8000  }
.LBB2_1:
0x14: {  	s0 =	rddreg [dreg:$0x1];
	s2 =	simm.s32 $0x10600;
	s21 =	smulhi.u32 $0xAAAAAAAB, s6  }
0x15: {  	[tilespmem:s2], [sflag:$0x5] =	stream.linear.gather [hbm4b:s0+s6], $0x280, $0x38;
	[tilespmem:$0x12A80] =	vst v63  }
0x16: {  	s19 =	simm.s32 $0x10880;
	_ =	swait.ge [sflag:s17], $0x280;
	s0 =	sshrl.u32 s21, $0x3  }
0x17: {  	s3 =	simm.s32 $0x10B80;
	[sflag:s17] =	ssyncset.done $0x0;
	s4 =	smul.u32 $0xFFFFFFF4, s0  }
0x18: {  	s5 =	sand.u32 $0x1, s6;
	p0 =	por $0x0, $0x0;
	[sflag:s17] =	ssyncadd.s32 $0xFFFFFD80  }
0x19: {  	p2 =	seq.s32 s5, $0x1;
	s18 =	rddreg [dreg:$0x2];
	s2 =	sadd.s32 $0x0, s4  }
0x1a: {  	[tilespmem:s19], [sflag:$0x5] =	stream.linear.gather [hbm4b:s18+s6], $0x300, $0x38;
	[tilespmem:$0x12A80] =	vst v63  }
0x1b: {  	s5 =	simm.s32 $0x1;
	s0 =	smul.u32 $0x600, s0;
	s4 =	sand.u32 $0x80, s2  }
0x1c: {  	p1 =	slt.s32 s2, $0x1;
	s18 =	smul.u32 $0xAB, s6;
	_ =	swait.ge [sflag:s17], $0x300  }
0x1d: {  	s16 =	sshrl.u32 s4, $0x7;
	p2 =	por !p1, !p2;
	[sflag:s17] =	ssyncset.done $0x0  }
0x1e: {  	p1 =	por !p1, !p0;
	s2 =	sadd.s32 s16, s2;
	[sflag:s17] =	ssyncadd.s32 $0xFFFFFD00  }
0x1f: {  	p2 =	por !p2, !p2;
	p1 =	por !p1, !p1;
	s22 =	rddreg [dreg:$0x3]  }
0x20: {  	[tilespmem:s3], [sflag:$0x5] =	stream.linear.gather [hbm4b:s22+s6], $0x100, $0x38;
	[tilespmem:$0x12A80] =	vst v63  }
0x21: {  	s4 =	sshrl.u32 s18, $0x4;
	s2 =	sshll.u32 s2, $0x18;
	s3 =	simm.s32 $0x1  }
0x22: {  	s2 =	sshra.s32 s2, $0x19;
	_ =	swait.ge [sflag:s17], $0x100;
	s3 =	simm.s32 @!p2 $0x0  }
0x23: {  	s5 =	simm.s32 @!p1 $0x0;
	[sflag:s17] =	ssyncset.done $0x0;
	s3 =	ssub.s32 s2, s3  }
0x24: {  	s4 =	sand.u32 $0xF80, s4;
	[sflag:s17] =	ssyncadd.s32 $0xFFFFFF00;
	s3 =	sshll.u32 s3, $0x9  }
0x25: {  	s2 =	ssub.s32 s2, s5;
	s21 =	sshra.s32 s3, $0x2;
	v5 =	vld [tilespmem:s4+$0x10600]  }
0x26: {  	s0 =	ssub.s32 $0x0, s0;
	s2 =	sshll.u32 s2, $0x8;
	v4 =	vld [tilespmem:s21+$0x10880]  }
0x27: {  	s5 =	ssub.s32 s0, s2  }
0x28: {  	v6 =	vld [tilespmem:s5+$0x10B80];
	_ =	sdelay $0x2  }
0x29: {  	v4 =	vadd.f32 v4, v5;
	_ =	sdelay $0x1  }
0x2a: {  	v4 =	vadd.f32 v6, v4  }
0x2b: {  	s31 =	simm.s32 $0x10CC0  }
0x2c: {  	[tilespmem:s31+$0xFFFFFFC0] =	vst v4  }
0x2d: {  	v4 =	vld [tilespmem:s4+$0x10610]  }
0x2e: {  	v5 =	vld [tilespmem:s21+$0x10890];
	_ =	sdelay $0x1  }
0x2f: {  	v6 =	vld [tilespmem:s5+$0x10B90];
	_ =	sdelay $0x2  }
0x30: {  	v4 =	vadd.f32 v5, v4;
	_ =	sdelay $0x1  }
0x31: {  	v4 =	vadd.f32 v6, v4;
	_ =	sdelay $0x1  }
0x32: {  	[tilespmem:s31+$0xFFFFFFD0] =	vst v4  }
0x33: {  	v4 =	vld [tilespmem:s4+$0x10620]  }
0x34: {  	v5 =	vld [tilespmem:s21+$0x108A0];
	_ =	sdelay $0x1  }
0x35: {  	v6 =	vld [tilespmem:s5+$0x10BA0];
	_ =	sdelay $0x2  }
0x36: {  	v4 =	vadd.f32 v5, v4;
	_ =	sdelay $0x1  }
0x37: {  	v4 =	vadd.f32 v6, v4;
	_ =	sdelay $0x1  }
0x38: {  	[tilespmem:s31+$0xFFFFFFE0] =	vst v4  }
0x39: {  	v4 =	vld [tilespmem:s4+$0x10630]  }
0x3a: {  	v5 =	vld [tilespmem:s21+$0x108B0];
	_ =	sdelay $0x1  }
0x3b: {  	v6 =	vld [tilespmem:s5+$0x10BB0];
	_ =	sdelay $0x2  }
0x3c: {  	v4 =	vadd.f32 v5, v4;
	_ =	sdelay $0x1  }
0x3d: {  	v4 =	vadd.f32 v6, v4;
	_ =	sdelay $0x1  }
0x3e: {  	[tilespmem:s31+$0xFFFFFFF0] =	vst v4  }
0x3f: {  	v4 =	vld [tilespmem:s4+$0x10640]  }
0x40: {  	v5 =	vld [tilespmem:s21+$0x108C0];
	_ =	sdelay $0x1  }
0x41: {  	v6 =	vld [tilespmem:s5+$0x10BC0];
	_ =	sdelay $0x2  }
0x42: {  	v4 =	vadd.f32 v5, v4;
	_ =	sdelay $0x1  }
0x43: {  	v4 =	vadd.f32 v6, v4;
	_ =	sdelay $0x1  }
0x44: {  	[tilespmem:s31+$0x0] =	vst v4  }
0x45: {  	v4 =	vld [tilespmem:s4+$0x10650]  }
0x46: {  	v5 =	vld [tilespmem:s21+$0x108D0];
	_ =	sdelay $0x1  }
0x47: {  	v6 =	vld [tilespmem:s5+$0x10BD0];
	_ =	sdelay $0x2  }
0x48: {  	v4 =	vadd.f32 v5, v4;
	_ =	sdelay $0x1  }
0x49: {  	v4 =	vadd.f32 v6, v4;
	_ =	sdelay $0x1  }
0x4a: {  	[tilespmem:s31+$0x10] =	vst v4  }
0x4b: {  	v4 =	vld [tilespmem:s4+$0x10660]  }
0x4c: {  	v5 =	vld [tilespmem:s21+$0x108E0];
	_ =	sdelay $0x1  }
0x4d: {  	v6 =	vld [tilespmem:s5+$0x10BE0];
	_ =	sdelay $0x2  }
0x4e: {  	v4 =	vadd.f32 v5, v4  }
0x4f: {  	s3 =	simm.s32 $0x1  }
0x50: {  	s19 =	smulhi.u32 $0xAAAAAAAB, s3;
	v4 =	vadd.f32 v6, v4;
	_ =	sdelay $0x1  }
0x51: {  	s22 =	sshrl.u32 s19, $0x3;
	[tilespmem:s31+$0x20] =	vst v4  }
0x52: {  	p0 =	por !p0, !p0;
	s16 =	simm.s32 $0x2;
	s19 =	smul.u32 $0xFFFFFFF4, s22;
	v4 =	vld [tilespmem:s4+$0x10670]  }
0x53: {  	s0 =	simm.s32 $0x10D40;
	s2 =	simm.s32 $0x80;
	s18 =	smul.u32 $0x600, s22;
	v5 =	vld [tilespmem:s21+$0x108F0]  }
.LBB2_2:
0x54: {  	s19 =	sadd.s32 s19, s3;
	s21 =	sand.u32 $0x1, s3  }
0x55: {  	v6 =	vld [tilespmem:s5+$0x10BF0];
	s5 =	smov.u32 s16;
	s4 =	sadd.s32 $0x1, s16;
	s22 =	sand.u32 $0x80, s19  }
0x56: {  	p1 =	slt.s32 s19, $0x1;
	p2 =	seq.s32 s21, $0x1;
	s21 =	sshrl.u32 s22, $0x7  }
0x57: {  	p2 =	por !p1, !p2;
	p3 =	por !p1, !p0;
	p1 =	sne.s32 s16, $0x3B  }
0x58: {  	s16 =	sadd.s32 s21, s19;
	p2 =	por !p2, !p2;
	p3 =	por !p3, !p3  }
0x59: {  	s19 =	simm.s32 $0x1;
	s21 =	simm.s32 $0x1;
	s16 =	sshll.u32 s16, $0x18;
	v4 =	vadd.f32 v5, v4  }
0x5a: {  	s19 =	simm.s32 @!p2 $0x0;
	s21 =	simm.s32 @!p3 $0x0;
	s16 =	sshra.s32 s16, $0x19  }
0x5b: {  	s22 =	smul.u32 $0xAB, s3;
	s3 =	ssub.s32 s16, s19;
	s16 =	ssub.s32 s16, s21;
	v4 =	vadd.f32 v6, v4  }
0x5c: {  	s19 =	sshll.u32 s16, $0x8;
	s16 =	sshll.u32 s3, $0x9;
	s3 =	smov.u32 s5  }
0x5d: {  	s5 =	sshrl.u32 s22, $0x4;
	s16 =	sshra.s32 s16, $0x2;
	[tilespmem:s31+$0x30] =	vst v4;
	s31 =	smov.u32 s0  }
0x5e: {  	s21 =	ssub.s32 s2, s18;
	s18 =	sand.u32 $0xF80, s5;
	v4 =	vld [tilespmem:s16+$0x10880]  }
0x5f: {  	s5 =	ssub.s32 s21, s19;
	v5 =	vld [tilespmem:s18+$0x10600]  }
0x60: {  	v6 =	vld [tilespmem:s5+$0x10B80];
	_ =	sdelay $0x3  }
0x61: {  	v4 =	vadd.f32 v4, v5;
	_ =	sdelay $0x1  }
0x62: {  	v4 =	vadd.f32 v6, v4;
	_ =	sdelay $0x1  }
0x63: {  	[tilespmem:s0+$0xFFFFFFC0] =	vst v4  }
0x64: {  	v4 =	vld [tilespmem:s18+$0x10610]  }
0x65: {  	v5 =	vld [tilespmem:s16+$0x10890];
	_ =	sdelay $0x1  }
0x66: {  	v6 =	vld [tilespmem:s5+$0x10B90];
	_ =	sdelay $0x2  }
0x67: {  	v4 =	vadd.f32 v5, v4;
	_ =	sdelay $0x1  }
0x68: {  	v4 =	vadd.f32 v6, v4;
	_ =	sdelay $0x1  }
0x69: {  	[tilespmem:s0+$0xFFFFFFD0] =	vst v4  }
0x6a: {  	v4 =	vld [tilespmem:s18+$0x10620]  }
0x6b: {  	v5 =	vld [tilespmem:s16+$0x108A0]  }
0x6c: {  	v6 =	vld [tilespmem:s5+$0x10BA0];
	_ =	sdelay $0x3  }
0x6d: {  	v4 =	vadd.f32 v5, v4;
	_ =	sdelay $0x1  }
0x6e: {  	v4 =	vadd.f32 v6, v4;
	_ =	sdelay $0x1  }
0x6f: {  	[tilespmem:s0+$0xFFFFFFE0] =	vst v4  }
0x70: {  	v4 =	vld [tilespmem:s18+$0x10630]  }
0x71: {  	v5 =	vld [tilespmem:s16+$0x108B0];
	_ =	sdelay $0x1  }
0x72: {  	v6 =	vld [tilespmem:s5+$0x10BB0];
	_ =	sdelay $0x2  }
0x73: {  	v4 =	vadd.f32 v5, v4;
	_ =	sdelay $0x1  }
0x74: {  	v4 =	vadd.f32 v6, v4;
	_ =	sdelay $0x1  }
0x75: {  	[tilespmem:s0+$0xFFFFFFF0] =	vst v4  }
0x76: {  	v4 =	vld [tilespmem:s18+$0x10640]  }
0x77: {  	v5 =	vld [tilespmem:s16+$0x108C0]  }
0x78: {  	v6 =	vld [tilespmem:s5+$0x10BC0];
	_ =	sdelay $0x3  }
0x79: {  	v4 =	vadd.f32 v5, v4;
	_ =	sdelay $0x1  }
0x7a: {  	v4 =	vadd.f32 v6, v4;
	_ =	sdelay $0x1  }
0x7b: {  	[tilespmem:s0+$0x0] =	vst v4  }
0x7c: {  	v4 =	vld [tilespmem:s18+$0x10650]  }
0x7d: {  	v5 =	vld [tilespmem:s16+$0x108D0]  }
0x7e: {  	v6 =	vld [tilespmem:s5+$0x10BD0];
	_ =	sdelay $0x3  }
0x7f: {  	v4 =	vadd.f32 v5, v4;
	_ =	sdelay $0x1  }
0x80: {  	v4 =	vadd.f32 v6, v4;
	_ =	sdelay $0x1  }
0x81: {  	[tilespmem:s0+$0x10] =	vst v4  }
0x82: {  	v4 =	vld [tilespmem:s18+$0x10660]  }
0x83: {  	v5 =	vld [tilespmem:s16+$0x108E0]  }
0x84: {  	v6 =	vld [tilespmem:s5+$0x10BE0];
	_ =	sdelay $0x3  }
0x85: {  	v4 =	vadd.f32 v5, v4  }
0x86: {  	s19 =	smulhi.u32 $0xAAAAAAAB, s3  }
.Ltmp2:
0x87: {  	v4 =	vadd.f32 v6, v4;
	(pc) =	sbr.rel @p1 .LBB2_2-.Ltmp2, $4  }
0x88: {  	_ = 	snop  }
0x89: {  	s21 =	sshrl.u32 s19, $0x3;
	[tilespmem:s0+$0x20] =	vst v4  }
0x8a: {  	p0 =	por !p0, !p0;
	s19 =	smul.u32 $0xFFFFFFF4, s21;
	s0 =	sadd.s32 $0x80, s0;
	v4 =	vld [tilespmem:s18+$0x10670]  }
0x8b: {  	s2 =	sadd.s32 $0x80, s2;
	s18 =	smul.u32 $0x600, s21;
	v5 =	vld [tilespmem:s16+$0x108F0];
	s16 =	smov.u32 s4  }
0x8c: {  	s4 =	sadd.s32 s19, s3  }
0x8d: {  	s16 =	sand.u32 $0x1, s3;
	v6 =	vld [tilespmem:s5+$0x10BF0];
	s22 =	sand.u32 $0x80, s4  }
0x8e: {  	p1 =	slt.s32 s4, $0x1;
	p2 =	seq.s32 s16, $0x1;
	s5 =	sshrl.u32 s22, $0x7  }
0x8f: {  	p2 =	por !p1, !p2;
	s4 =	sadd.s32 s5, s4  }
0x90: {  	p2 =	por !p2, !p2;
	s5 =	simm.s32 $0x1;
	s4 =	sshll.u32 s4, $0x18;
	v4 =	vadd.f32 v5, v4  }
0x91: {  	s5 =	simm.s32 @!p2 $0x0;
	s4 =	sshra.s32 s4, $0x19  }
0x92: {  	s19 =	smul.u32 $0xAB, s3;
	p0 =	por !p1, !p0;
	s5 =	ssub.s32 s4, s5;
	v4 =	vadd.f32 v6, v4  }
0x93: {  	s16 =	simm.s32 $0x1;
	p0 =	por !p0, !p0;
	s5 =	sshll.u32 s5, $0x9  }
0x94: {  	s3 =	sshrl.u32 s19, $0x4;
	s16 =	simm.s32 @!p0 $0x0;
	s5 =	sshra.s32 s5, $0x2;
	[tilespmem:s31+$0x30] =	vst v4  }
0x95: {  	s3 =	sand.u32 $0xF80, s3;
	s4 =	ssub.s32 s4, s16;
	v4 =	vld [tilespmem:s5+$0x10880]  }
0x96: {  	s2 =	ssub.s32 s2, s18;
	s4 =	sshll.u32 s4, $0x8;
	v5 =	vld [tilespmem:s3+$0x10600]  }
0x97: {  	s2 =	ssub.s32 s2, s4  }
0x98: {  	v56 =	vld [tilespmem:s2+$0x10B80];
	_ =	sdelay $0x2  }
0x99: {  	v4 =	vadd.f32 v4, v5;
	_ =	sdelay $0x1  }
0x9a: {  	v4 =	vadd.f32 v56, v4;
	_ =	sdelay $0x1  }
0x9b: {  	[tilespmem:s0+$0xFFFFFFC0] =	vst v4  }
0x9c: {  	v4 =	vld [tilespmem:s3+$0x10610]  }
0x9d: {  	v5 =	vld [tilespmem:s5+$0x10890];
	_ =	sdelay $0x1  }
0x9e: {  	v57 =	vld [tilespmem:s2+$0x10B90];
	_ =	sdelay $0x2  }
0x9f: {  	v4 =	vadd.f32 v5, v4;
	_ =	sdelay $0x1  }
0xa0: {  	v4 =	vadd.f32 v57, v4;
	_ =	sdelay $0x1  }
0xa1: {  	[tilespmem:s0+$0xFFFFFFD0] =	vst v4  }
0xa2: {  	v4 =	vld [tilespmem:s3+$0x10620]  }
0xa3: {  	v5 =	vld [tilespmem:s5+$0x108A0];
	_ =	sdelay $0x1  }
0xa4: {  	v58 =	vld [tilespmem:s2+$0x10BA0];
	_ =	sdelay $0x2  }
0xa5: {  	v4 =	vadd.f32 v5, v4;
	_ =	sdelay $0x1  }
0xa6: {  	v4 =	vadd.f32 v58, v4;
	_ =	sdelay $0x1  }
0xa7: {  	[tilespmem:s0+$0xFFFFFFE0] =	vst v4  }
0xa8: {  	v4 =	vld [tilespmem:s3+$0x10630]  }
0xa9: {  	v5 =	vld [tilespmem:s5+$0x108B0];
	_ =	sdelay $0x1  }
0xaa: {  	v59 =	vld [tilespmem:s2+$0x10BB0];
	_ =	sdelay $0x2  }
0xab: {  	v4 =	vadd.f32 v5, v4;
	_ =	sdelay $0x1  }
0xac: {  	v4 =	vadd.f32 v59, v4;
	_ =	sdelay $0x1  }
0xad: {  	[tilespmem:s0+$0xFFFFFFF0] =	vst v4  }
0xae: {  	v4 =	vld [tilespmem:s3+$0x10640]  }
0xaf: {  	v5 =	vld [tilespmem:s5+$0x108C0];
	_ =	sdelay $0x1  }
0xb0: {  	v60 =	vld [tilespmem:s2+$0x10BC0];
	_ =	sdelay $0x2  }
0xb1: {  	v4 =	vadd.f32 v5, v4;
	_ =	sdelay $0x1  }
0xb2: {  	v4 =	vadd.f32 v60, v4;
	_ =	sdelay $0x1  }
0xb3: {  	[tilespmem:s0+$0x0] =	vst v4  }
0xb4: {  	v4 =	vld [tilespmem:s3+$0x10650]  }
0xb5: {  	v5 =	vld [tilespmem:s5+$0x108D0];
	_ =	sdelay $0x1  }
0xb6: {  	v61 =	vld [tilespmem:s2+$0x10BD0];
	_ =	sdelay $0x2  }
0xb7: {  	v4 =	vadd.f32 v5, v4;
	_ =	sdelay $0x1  }
0xb8: {  	v4 =	vadd.f32 v61, v4;
	_ =	sdelay $0x1  }
0xb9: {  	[tilespmem:s0+$0x10] =	vst v4  }
0xba: {  	v4 =	vld [tilespmem:s3+$0x10660]  }
0xbb: {  	v5 =	vld [tilespmem:s5+$0x108E0];
	_ =	sdelay $0x1  }
0xbc: {  	v62 =	vld [tilespmem:s2+$0x10BE0];
	_ =	sdelay $0x2  }
0xbd: {  	v4 =	vadd.f32 v5, v4;
	_ =	sdelay $0x1  }
0xbe: {  	v4 =	vadd.f32 v62, v4;
	_ =	sdelay $0x1  }
0xbf: {  	[tilespmem:s0+$0x20] =	vst v4  }
0xc0: {  	v4 =	vld [tilespmem:s3+$0x10670]  }
0xc1: {  	v5 =	vld [tilespmem:s5+$0x108F0];
	_ =	sdelay $0x1  }
0xc2: {  	v63 =	vld [tilespmem:s2+$0x10BF0];
	_ =	sdelay $0x2  }
0xc3: {  	v4 =	vadd.f32 v5, v4;
	_ =	sdelay $0x1  }
0xc4: {  	v4 =	vadd.f32 v63, v4;
	_ =	sdelay $0x1  }
0xc5: {  	s31 =	simm.s32 $0x0;
	[tilespmem:s0+$0x30] =	vst v4  }
0xc6: {  	[tilespmem:s31], [sflag:$0x1] =	stream.linear.gather [hbm4b:s11+s31], $0x100, $0x38;
	[tilespmem:$0x12A80] =	vst v63  }
.Ltmp3:
0xc7: {  	_ = 	snop;
	(pc) =	sbr.rel .LBB2_4-.Ltmp3, $4  }
0xc8: {  	s21 =	simm.s32 $0x200  }
0xc9: {  	[tilespmem:s21], [sflag:$0x1] =	stream.linear.gather [hbm4b:s12+s31], $0x100, $0x38;
	[tilespmem:$0x12A80] =	vst v63  }
0xca: {  	s22 =	simm.s32 $0x400  }
0xcb: {  	[tilespmem:s22], [sflag:$0x1] =	stream.linear.gather [hbm4b:s13+s31], $0x100, $0x38;
	[tilespmem:$0x12A80] =	vst v63  }
.LBB2_14:
0xcc: {  	s31 =	sadd.s32 $0x1, s31  }
0xcd: {  	p0 =	sne.s32 s31, $0x14  }
.Ltmp4:
0xce: {  	_ = 	snop;
	(pc) =	sbr.rel @!p0 .LBB2_15-.Ltmp4, $1  }
0xcf: {  	_ =	sdelay $0x3  }
.LBB2_4:
0xd0: {  	_ =	swait.ge [sflag:s20], $0x100  }
0xd1: {  	[sflag:s20] =	ssyncset.done $0x0  }
0xd2: {  	[sflag:s20] =	ssyncadd.s32 $0xFFFFFF00  }
0xd3: {  	_ =	swait.ge [sflag:s20], $0x100  }
0xd4: {  	s0 =	sshllo.u32 s31, $0x1;
	[sflag:s20] =	ssyncset.done $0x0  }
0xd5: {  	p1 =	sge.u32 s0, s10;
	[sflag:s20] =	ssyncadd.s32 $0xFFFFFF00  }
0xd6: {  	s2 =	sshll.u32 @!p1 s0, $0xA;
	_ =	swait.ge [sflag:s20], $0x100  }
0xd7: {  	s4 =	simm.s32 @!p1 $0x0;
	s2 =	sor.u32 @!p1 s9, s2;
	[sflag:s20] =	ssyncset.done $0x0  }
0xd8: {  	s5 =	simm.s32 @!p1 $0x100;
	s3 =	sadd.s32 @!p1 s7, s2;
	[sflag:s20] =	ssyncadd.s32 $0xFFFFFF00  }
0xd9: {  	[tilespmem:s5], [sflag:$0x2] =	stream.linear.gather @!p1 [hbm4b:s3+s4], $0x100, $0x38;
	[tilespmem:$0x12A80] =	vst v63  }
0xda: {  	s3 =	sadd.s32 @!p1 s8, s2;
	s5 =	simm.s32 @!p1 $0x300  }
0xdb: {  	[tilespmem:s5], [sflag:$0x2] =	stream.linear.gather @!p1 [hbm4b:s3+s4], $0x100, $0x38;
	[tilespmem:$0x12A80] =	vst v63  }
0xdc: {  	p0 =	seq.s32 s31, $0x0;
	s2 =	sadd.s32 @!p1 s1, s2;
	s3 =	simm.s32 @!p1 $0x500  }
0xdd: {  	[tilespmem:s3], [sflag:$0x2] =	stream.linear.gather @!p1 [hbm4b:s2+s4], $0x100, $0x38;
	[tilespmem:$0x12A80] =	vst v63  }
0xde: {  	s3 =	simm.s32 @!p0 $0x3  }
0xdf: {  	_ =	swait.ge @!p0 [sflag:s3], $0x8000  }
0xe0: {  	s5 =	sshll.u32 s31, $0x1;
	[sflag:s3] =	ssyncset.done @!p0 $0x0  }
0xe1: {  	s2 =	sshll.u32 s31, $0x12;
	[sflag:s3] =	ssyncadd.s32 @!p0 $0xFFFF8000;
	s3 =	simm.s32 $0x0  }
.LBB2_5:
0xe2: {  	s4 =	sshll.u32 s3, $0x4  }
0xe3: {  	v4 =	vld [tilespmem:s4+$0x0]  }
0xe4: {  	v5 =	vld [tilespmem:s4+$0x200];
	_ =	sdelay $0x2  }
0xe5: {  	v6 =	vld [tilespmem:s4+$0x400]  }
0xe6: {  	vm0 =	vgt.s32 v4, $0x0  }
0xe7: {  	s19 =	simm.s32 $0x6;
	v7 =	vmov s4;
	vm14 =	vgt.s32 v5, $0x0;
	v4 =	vnsel vm0, $0x0, v4  }
0xe8: {  	s21 =	simm.s32 $0x4;
	v9 =	vadd.s32 s19, v0;
	v5 =	vnsel vm14, $0x0, v5;
	v4 =	vmin.u32 v4, $0x4  }
0xe9: {  	s22 =	simm.s32 $0x3;
	v12 =	vadd.s32 s21, v0;
	v5 =	vmin.u32 v5, $0x5;
	v4 =	vmul.u32 $0xC, v4  }
0xea: {  	v14 =	vadd.s32 s22, v0;
	vm15 =	vgt.s32 v6, $0x0;
	v5 =	vshll.u32 v5, $0x1  }
0xeb: {  	s16 =	simm.s32 $0x0;
	v7 =	vshll.u32 v7, $0x7;
	v6 =	vsel vm15, $0x1, v2;
	v4 =	vadd.s32 v4, v5  }
0xec: {  	s18 =	simm.s32 $0x7;
	v5 =	vadd.s32 s16, v0;
	v6 =	vor.u32 v6, v4;
	v4 =	vor.u32 v1, v7  }
0xed: {  	v7 =	vand.u32 $0x7F, v5;
	v5 =	vshll.u32 v6, $0x7;
	v6 =	vadd.s32 s18, v0  }
0xee: {  	v8 =	vor.u32 v4, v7;
	v7 =	vor.u32 v5, v7;
	v6 =	vand.u32 $0x7F, v6  }
0xef: {  	v9 =	vand.u32 $0x7F, v9;
	v12 =	vand.u32 $0x7F, v12;
	s16 =	simm.s32 $0x5;
	v10 =	vor.u32 v5, v6  }
0xf0: {  	v14 =	vand.u32 $0x7F, v14;
	v11 =	vadd.s32 s16, v0;
	v17 =	vor.u32 v5, v12  }
0xf1: {  	v11 =	vand.u32 $0x7F, v11;
	s18 =	simm.s32 $0x2;
	v23 =	vor.u32 v4, v9;
	v13 =	vor.u32 v5, v9  }
0xf2: {  	s19 =	simm.s32 $0x1;
	v26 =	vor.u32 v4, v12;
	v15 =	vor.u32 v5, v11;
	v16 =	vadd.s32 s18, v0  }
0xf3: {  	v19 =	vor.u32 v5, v14;
	v16 =	vand.u32 $0x7F, v16;
	v18 =	vld.idx.msk [tilespmem:v7+s23+$0x0], $0xffff;
	v7 =	vadd.s32 s19, v0  }
0xf4: {  	s21 =	simm.s32 $0x8;
	v21 =	vor.u32 v4, v6;
	v22 =	vor.u32 v5, v16;
	v20 =	vand.u32 $0x7F, v7;
	v10 =	vld.idx.msk [tilespmem:v10+s23+$0x0], $0xffff  }
0xf5: {  	s22 =	simm.s32 $0xF;
	v28 =	vor.u32 v4, v14;
	v17 =	vld.idx.msk [tilespmem:v17+s23+$0x0], $0xffff;
	v7 =	vadd.s32 s21, v0;
	v24 =	vor.u32 v5, v20  }
0xf6: {  	v25 =	vor.u32 v4, v11;
	v11 =	vadd.s32 s22, v0;
	s18 =	simm.s32 $0xD;
	v13 =	vld.idx.msk [tilespmem:v13+s23+$0x0], $0xffff;
	v7 =	vand.u32 $0x7F, v7  }
0xf7: {  	s16 =	simm.s32 $0xE;
	v12 =	vor.u32 v4, v16;
	v16 =	vadd.s32 s18, v0;
	v15 =	vld.idx.msk [tilespmem:v15+s23+$0x0], $0xffff;
	v6 =	vor.u32 v4, v7  }
0xf8: {  	v27 =	vld.idx.msk [tilespmem:v19+s23+$0x0], $0xffff;
	v9 =	vor.u32 v5, v7;
	v7 =	vand.u32 $0x7F, v11;
	v11 =	vadd.s32 s16, v0;
	[tilespmem:v8+s24+$0x0] =	vst.idx.msk $0xffff, v18  }
0xf9: {  	[tilespmem:v21+s24+$0x0] =	vst.idx.msk $0xffff, v10;
	v10 =	vand.u32 $0x7F, v11;
	v11 =	vand.u32 $0x7F, v16;
	v16 =	vld.idx.msk [tilespmem:v22+s23+$0x0], $0xffff  }
0xfa: {  	s19 =	simm.s32 $0xC;
	v14 =	vor.u32 v4, v20;
	v8 =	vor.u32 v5, v7;
	[tilespmem:v26+s24+$0x0] =	vst.idx.msk $0xffff, v17;
	v17 =	vld.idx.msk [tilespmem:v24+s23+$0x0], $0xffff  }
0xfb: {  	s21 =	simm.s32 $0xB;
	[tilespmem:v23+s24+$0x0] =	vst.idx.msk $0xffff, v13;
	v13 =	vadd.s32 s19, v0;
	v18 =	vor.u32 v5, v10  }
0xfc: {  	s22 =	simm.s32 $0xA;
	[tilespmem:v25+s24+$0x0] =	vst.idx.msk $0xffff, v15;
	v15 =	vadd.s32 s21, v0;
	v13 =	vand.u32 $0x7F, v13;
	v19 =	vor.u32 v5, v11  }
0xfd: {  	s4 =	simm.s32 $0x10;
	s16 =	simm.s32 $0x9;
	[tilespmem:v28+s24+$0x0] =	vst.idx.msk $0xffff, v27;
	v21 =	vadd.s32 s22, v0;
	v15 =	vand.u32 $0x7F, v15;
	v20 =	vor.u32 v5, v13  }
.LBB2_6:
0xfe: {  	p2 =	slt.u32 s4, $0x78;
	v22 =	vld.idx.msk [tilespmem:v9+s23+$0x0], $0xffff;
	v9 =	vadd.s32 s16, v0;
	v21 =	vand.u32 $0x7F, v21;
	v23 =	vor.u32 v5, v15;
	[tilespmem:v12+s24+$0x0] =	vst.idx.msk $0xffff, v16  }
0xff: {  	v24 =	vand.u32 $0x7F, v9;
	v12 =	vor.u32 v5, v21;
	v25 =	vld.idx.msk [tilespmem:v8+s23+$0x0], $0xffff;
	[tilespmem:v14+s24+$0x0] =	vst.idx.msk $0xffff, v17  }
0x100: {  	v26 =	vor.u32 v4, v7;
	v8 =	vadd.s32 s4, v0;
	v14 =	vor.u32 v5, v24;
	v18 =	vld.idx.msk [tilespmem:v18+s23+$0x0], $0xffff  }
0x101: {  	s16 =	sadd.s32 $0x7, s4;
	v27 =	vor.u32 v4, v10;
	v7 =	vand.u32 $0x7F, v8;
	v19 =	vld.idx.msk [tilespmem:v19+s23+$0x0], $0xffff  }
0x102: {  	v28 =	vor.u32 v4, v11;
	v8 =	vadd.s32 s16, v0;
	v10 =	vor.u32 v4, v7;
	v20 =	vld.idx.msk [tilespmem:v20+s23+$0x0], $0xffff  }
0x103: {  	v29 =	vor.u32 v4, v13;
	v9 =	vor.u32 v5, v7;
	v7 =	vand.u32 $0x7F, v8;
	v23 =	vld.idx.msk [tilespmem:v23+s23+$0x0], $0xffff  }
0x104: {  	s16 =	sadd.s32 $0x6, s4;
	v8 =	vor.u32 v5, v7;
	[tilespmem:v6+s24+$0x0] =	vst.idx.msk $0xffff, v22;
	v16 =	vld.idx.msk [tilespmem:v12+s23+$0x0], $0xffff;
	v22 =	vor.u32 v4, v15  }
.Ltmp5:
0x105: {  	s18 =	sadd.s32 $0x5, s4;
	v11 =	vadd.s32 s16, v0;
	v12 =	vor.u32 v4, v21;
	v6 =	vmov v10;
	v17 =	vld.idx.msk [tilespmem:v14+s23+$0x0], $0xffff;
	[tilespmem:v26+s24+$0x0] =	vst.idx.msk $0xffff, v25;
	(pc) =	sbr.rel @p2 .LBB2_6-.Ltmp5, $4  }
0x106: {  	v13 =	vadd.s32 s18, v0;
	s16 =	sadd.s32 $0x4, s4;
	v10 =	vand.u32 $0x7F, v11;
	v14 =	vor.u32 v4, v24;
	[tilespmem:v27+s24+$0x0] =	vst.idx.msk $0xffff, v18  }
0x107: {  	s18 =	sadd.s32 $0x3, s4;
	v15 =	vadd.s32 s16, v0;
	v11 =	vand.u32 $0x7F, v13;
	v18 =	vor.u32 v5, v10;
	[tilespmem:v28+s24+$0x0] =	vst.idx.msk $0xffff, v19  }
0x108: {  	s19 =	sadd.s32 $0x2, s4;
	v24 =	vadd.s32 s18, v0;
	v13 =	vand.u32 $0x7F, v15;
	v19 =	vor.u32 v5, v11;
	[tilespmem:v29+s24+$0x0] =	vst.idx.msk $0xffff, v20  }
0x109: {  	s16 =	sadd.s32 $0x1, s4;
	v21 =	vadd.s32 s19, v0;
	s4 =	sadd.s32 $0x8, s4;
	v15 =	vand.u32 $0x7F, v24;
	v20 =	vor.u32 v5, v13;
	[tilespmem:v22+s24+$0x0] =	vst.idx.msk $0xffff, v23  }
0x10a: {  	_ =	sdelay $0x3  }
0x10b: {  	v9 =	vld.idx.msk [tilespmem:v9+s23+$0x0], $0xffff;
	v22 =	vadd.s32 s16, v0;
	v21 =	vand.u32 $0x7F, v21;
	v23 =	vor.u32 v5, v15  }
0x10c: {  	v8 =	vld.idx.msk [tilespmem:v8+s23+$0x0], $0xffff;
	v7 =	vor.u32 v4, v7;
	v22 =	vand.u32 $0x7F, v22;
	v24 =	vor.u32 v5, v21  }
0x10d: {  	v18 =	vld.idx.msk [tilespmem:v18+s23+$0x0], $0xffff;
	v10 =	vor.u32 v4, v10;
	v5 =	vor.u32 v5, v22  }
0x10e: {  	[tilespmem:v12+s24+$0x0] =	vst.idx.msk $0xffff, v16;
	v58 =	vld.idx.msk [tilespmem:v19+s23+$0x0], $0xffff;
	v11 =	vor.u32 v4, v11  }
0x10f: {  	[tilespmem:v14+s24+$0x0] =	vst.idx.msk $0xffff, v17;
	v59 =	vld.idx.msk [tilespmem:v20+s23+$0x0], $0xffff;
	v13 =	vor.u32 v4, v13  }
0x110: {  	v61 =	vor.u32 v4, v15;
	v60 =	vld.idx.msk [tilespmem:v23+s23+$0x0], $0xffff;
	[tilespmem:v6+s24+$0x0] =	vst.idx.msk $0xffff, v9  }
0x111: {  	s3 =	sadd.s32 $0x1, s3;
	v63 =	vor.u32 v4, v21;
	[tilespmem:v7+s24+$0x0] =	vst.idx.msk $0xffff, v8;
	v62 =	vld.idx.msk [tilespmem:v24+s23+$0x0], $0xffff  }
0x112: {  	p2 =	sne.s32 s3, $0x10;
	v4 =	vor.u32 v4, v22;
	[tilespmem:v10+s24+$0x0] =	vst.idx.msk $0xffff, v18;
	v5 =	vld.idx.msk [tilespmem:v5+s23+$0x0], $0xffff  }
.Ltmp6:
0x113: {  	[tilespmem:v11+s24+$0x0] =	vst.idx.msk $0xffff, v58;
	(pc) =	sbr.rel @p2 .LBB2_5-.Ltmp6, $4  }
0x114: {  	[tilespmem:v13+s24+$0x0] =	vst.idx.msk $0xffff, v59  }
0x115: {  	[tilespmem:v61+s24+$0x0] =	vst.idx.msk $0xffff, v60  }
0x116: {  	[tilespmem:v63+s24+$0x0] =	vst.idx.msk $0xffff, v62  }
0x117: {  	[tilespmem:v4+s24+$0x0] =	vst.idx.msk $0xffff, v5  }
.Ltmp7:
0x118: {  	(pc) =	sbr.rel @p1 .LBB2_14-.Ltmp7, $3  }
0x119: {  	_ =	sdelay $0x1  }
0x11a: {  	s2 =	sadd.s32 s2, s14  }
0x11b: {  	[hbm4b:s2+s6] =	stream.linear.scatter [tilespmem:s24], [sflag:$0x3], $0x8000, $0x38;
	[tilespmem:$0x12A80] =	vst v63  }
0x11c: {  	_ =	swait.ge [sflag:s25], $0x100  }
0x11d: {  	[sflag:s25] =	ssyncset.done $0x0  }
0x11e: {  	[sflag:s25] =	ssyncadd.s32 $0xFFFFFF00  }
0x11f: {  	_ =	swait.ge [sflag:s25], $0x100  }
0x120: {  	s2 =	sadd.s32 $0x2, s5;
	[sflag:s25] =	ssyncset.done $0x0  }
0x121: {  	p1 =	sge.u32 s2, s10;
	[sflag:s25] =	ssyncadd.s32 $0xFFFFFF00  }
0x122: {  	s2 =	sshll.u32 @!p1 s2, $0xA;
	_ =	swait.ge [sflag:s25], $0x100  }
0x123: {  	s2 =	sor.u32 @!p1 s9, s2;
	[sflag:s25] =	ssyncset.done $0x0  }
0x124: {  	s4 =	simm.s32 @!p1 $0x0;
	s3 =	sadd.s32 @!p1 s7, s2;
	[sflag:s25] =	ssyncadd.s32 $0xFFFFFF00  }
0x125: {  	[tilespmem:s4], [sflag:$0x1] =	stream.linear.gather @!p1 [hbm4b:s3+s4], $0x100, $0x38;
	[tilespmem:$0x12A80] =	vst v63  }
0x126: {  	s5 =	simm.s32 @!p1 $0x200;
	s3 =	sadd.s32 @!p1 s8, s2  }
0x127: {  	[tilespmem:s5], [sflag:$0x1] =	stream.linear.gather @!p1 [hbm4b:s3+s4], $0x100, $0x38;
	[tilespmem:$0x12A80] =	vst v63  }
0x128: {  	s2 =	sadd.s32 @!p1 s1, s2;
	s3 =	simm.s32 @!p1 $0x400  }
0x129: {  	[tilespmem:s3], [sflag:$0x1] =	stream.linear.gather @!p1 [hbm4b:s2+s4], $0x100, $0x38;
	[tilespmem:$0x12A80] =	vst v63  }
0x12a: {  	s2 =	simm.s32 @!p0 $0x4  }
0x12b: {  	_ =	swait.ge @!p0 [sflag:s2], $0x8000  }
0x12c: {  	s0 =	sshll.u32 s0, $0x11;
	[sflag:s2] =	ssyncset.done @!p0 $0x0  }
0x12d: {  	s3 =	simm.s32 $0x0;
	[sflag:s2] =	ssyncadd.s32 @!p0 $0xFFFF8000;
	s2 =	simm.s32 $0x0  }
.LBB2_10:
0x12e: {  	s4 =	sshll.u32 s3, $0x4  }
0x12f: {  	s5 =	sor.u32 $0x100, s4  }
0x130: {  	v4 =	vld [tilespmem:s5+$0x0]  }
0x131: {  	v5 =	vld [tilespmem:s4+$0x300];
	_ =	sdelay $0x2  }
0x132: {  	v6 =	vld [tilespmem:s4+$0x500]  }
0x133: {  	s21 =	simm.s32 $0x6;
	vm0 =	vgt.s32 v4, $0x0  }
0x134: {  	s22 =	simm.s32 $0x5;
	v9 =	vadd.s32 s21, v0;
	vm14 =	vgt.s32 v5, $0x0;
	v4 =	vnsel vm0, $0x0, v4  }
0x135: {  	s16 =	simm.s32 $0x4;
	v11 =	vadd.s32 s22, v0;
	v5 =	vnsel vm14, $0x0, v5;
	v4 =	vmin.u32 v4, $0x4  }
0x136: {  	v12 =	vadd.s32 s16, v0;
	v5 =	vmin.u32 v5, $0x5;
	v4 =	vmul.u32 $0xC, v4  }
0x137: {  	vm15 =	vgt.s32 v6, $0x0;
	v6 =	vmov s4;
	v5 =	vshll.u32 v5, $0x1  }
0x138: {  	v7 =	vsel vm15, $0x1, v2;
	v4 =	vadd.s32 v4, v5;
	v5 =	vshll.u32 v6, $0x7  }
0x139: {  	s19 =	simm.s32 $0x7;
	v6 =	vadd.s32 s2, v0;
	v7 =	vor.u32 v7, v4;
	v4 =	vor.u32 v3, v5  }
0x13a: {  	v6 =	vand.u32 $0x7F, v6;
	v5 =	vshll.u32 v7, $0x7;
	v7 =	vadd.s32 s19, v0  }
0x13b: {  	s18 =	simm.s32 $0x3;
	v8 =	vor.u32 v4, v6;
	v6 =	vor.u32 v5, v6;
	v7 =	vand.u32 $0x7F, v7  }
0x13c: {  	v14 =	vadd.s32 s18, v0;
	v12 =	vand.u32 $0x7F, v12;
	v10 =	vor.u32 v5, v7  }
0x13d: {  	v9 =	vand.u32 $0x7F, v9;
	v11 =	vand.u32 $0x7F, v11;
	v17 =	vor.u32 v5, v12  }
0x13e: {  	v14 =	vand.u32 $0x7F, v14;
	s19 =	simm.s32 $0x2;
	v23 =	vor.u32 v4, v9;
	v13 =	vor.u32 v5, v9  }
0x13f: {  	s21 =	simm.s32 $0x1;
	v25 =	vor.u32 v4, v11;
	v15 =	vor.u32 v5, v11;
	v16 =	vadd.s32 s19, v0  }
0x140: {  	v19 =	vor.u32 v5, v14;
	v16 =	vand.u32 $0x7F, v16;
	v18 =	vld.idx.msk [tilespmem:v6+s23+$0x0], $0xffff;
	v6 =	vadd.s32 s21, v0  }
0x141: {  	s22 =	simm.s32 $0x8;
	v21 =	vor.u32 v4, v7;
	v22 =	vor.u32 v5, v16;
	v20 =	vand.u32 $0x7F, v6;
	v10 =	vld.idx.msk [tilespmem:v10+s23+$0x0], $0xffff  }
0x142: {  	s5 =	simm.s32 $0xF;
	v26 =	vor.u32 v4, v12;
	v17 =	vld.idx.msk [tilespmem:v17+s23+$0x0], $0xffff;
	v6 =	vadd.s32 s22, v0;
	v24 =	vor.u32 v5, v20  }
0x143: {  	s18 =	simm.s32 $0xD;
	v28 =	vor.u32 v4, v14;
	v11 =	vadd.s32 s5, v0;
	v13 =	vld.idx.msk [tilespmem:v13+s23+$0x0], $0xffff;
	v7 =	vand.u32 $0x7F, v6  }
0x144: {  	s16 =	simm.s32 $0xE;
	v12 =	vor.u32 v4, v16;
	v16 =	vadd.s32 s18, v0;
	v15 =	vld.idx.msk [tilespmem:v15+s23+$0x0], $0xffff;
	v6 =	vor.u32 v4, v7  }
0x145: {  	v27 =	vld.idx.msk [tilespmem:v19+s23+$0x0], $0xffff;
	v9 =	vor.u32 v5, v7;
	v7 =	vand.u32 $0x7F, v11;
	v11 =	vadd.s32 s16, v0;
	[tilespmem:v8+s24+$0x0] =	vst.idx.msk $0xffff, v18  }
0x146: {  	[tilespmem:v21+s24+$0x0] =	vst.idx.msk $0xffff, v10;
	v10 =	vand.u32 $0x7F, v11;
	v11 =	vand.u32 $0x7F, v16;
	v16 =	vld.idx.msk [tilespmem:v22+s23+$0x0], $0xffff  }
0x147: {  	s19 =	simm.s32 $0xC;
	v14 =	vor.u32 v4, v20;
	v8 =	vor.u32 v5, v7;
	[tilespmem:v26+s24+$0x0] =	vst.idx.msk $0xffff, v17;
	v17 =	vld.idx.msk [tilespmem:v24+s23+$0x0], $0xffff  }
0x148: {  	s21 =	simm.s32 $0xB;
	[tilespmem:v23+s24+$0x0] =	vst.idx.msk $0xffff, v13;
	v13 =	vadd.s32 s19, v0;
	v18 =	vor.u32 v5, v10  }
0x149: {  	s22 =	simm.s32 $0xA;
	[tilespmem:v25+s24+$0x0] =	vst.idx.msk $0xffff, v15;
	v15 =	vadd.s32 s21, v0;
	v13 =	vand.u32 $0x7F, v13;
	v19 =	vor.u32 v5, v11  }
0x14a: {  	s4 =	simm.s32 $0x10;
	s5 =	simm.s32 $0x9;
	[tilespmem:v28+s24+$0x0] =	vst.idx.msk $0xffff, v27;
	v21 =	vadd.s32 s22, v0;
	v15 =	vand.u32 $0x7F, v15;
	v20 =	vor.u32 v5, v13  }
.LBB2_11:
0x14b: {  	p0 =	slt.u32 s4, $0x78;
	v22 =	vld.idx.msk [tilespmem:v9+s23+$0x0], $0xffff;
	v9 =	vadd.s32 s5, v0;
	v21 =	vand.u32 $0x7F, v21;
	v23 =	vor.u32 v5, v15;
	[tilespmem:v12+s24+$0x0] =	vst.idx.msk $0xffff, v16  }
0x14c: {  	v24 =	vand.u32 $0x7F, v9;
	v12 =	vor.u32 v5, v21;
	v25 =	vld.idx.msk [tilespmem:v8+s23+$0x0], $0xffff;
	[tilespmem:v14+s24+$0x0] =	vst.idx.msk $0xffff, v17  }
0x14d: {  	v26 =	vor.u32 v4, v7;
	v8 =	vadd.s32 s4, v0;
	v14 =	vor.u32 v5, v24;
	v18 =	vld.idx.msk [tilespmem:v18+s23+$0x0], $0xffff  }
0x14e: {  	s5 =	sadd.s32 $0x7, s4;
	v27 =	vor.u32 v4, v10;
	v7 =	vand.u32 $0x7F, v8;
	v19 =	vld.idx.msk [tilespmem:v19+s23+$0x0], $0xffff  }
0x14f: {  	v28 =	vor.u32 v4, v11;
	v8 =	vadd.s32 s5, v0;
	v10 =	vor.u32 v4, v7;
	v20 =	vld.idx.msk [tilespmem:v20+s23+$0x0], $0xffff  }
0x150: {  	v29 =	vor.u32 v4, v13;
	v9 =	vor.u32 v5, v7;
	v7 =	vand.u32 $0x7F, v8;
	v23 =	vld.idx.msk [tilespmem:v23+s23+$0x0], $0xffff  }
0x151: {  	s5 =	sadd.s32 $0x6, s4;
	v8 =	vor.u32 v5, v7;
	[tilespmem:v6+s24+$0x0] =	vst.idx.msk $0xffff, v22;
	v16 =	vld.idx.msk [tilespmem:v12+s23+$0x0], $0xffff;
	v22 =	vor.u32 v4, v15  }
.Ltmp8:
0x152: {  	s16 =	sadd.s32 $0x5, s4;
	v11 =	vadd.s32 s5, v0;
	v12 =	vor.u32 v4, v21;
	v6 =	vmov v10;
	v17 =	vld.idx.msk [tilespmem:v14+s23+$0x0], $0xffff;
	[tilespmem:v26+s24+$0x0] =	vst.idx.msk $0xffff, v25;
	(pc) =	sbr.rel @p0 .LBB2_11-.Ltmp8, $4  }
0x153: {  	v13 =	vadd.s32 s16, v0;
	s5 =	sadd.s32 $0x4, s4;
	v10 =	vand.u32 $0x7F, v11;
	v14 =	vor.u32 v4, v24;
	[tilespmem:v27+s24+$0x0] =	vst.idx.msk $0xffff, v18  }
0x154: {  	s16 =	sadd.s32 $0x3, s4;
	v15 =	vadd.s32 s5, v0;
	v11 =	vand.u32 $0x7F, v13;
	v18 =	vor.u32 v5, v10;
	[tilespmem:v28+s24+$0x0] =	vst.idx.msk $0xffff, v19  }
0x155: {  	s18 =	sadd.s32 $0x2, s4;
	v24 =	vadd.s32 s16, v0;
	v13 =	vand.u32 $0x7F, v15;
	v19 =	vor.u32 v5, v11;
	[tilespmem:v29+s24+$0x0] =	vst.idx.msk $0xffff, v20  }
0x156: {  	s5 =	sadd.s32 $0x1, s4;
	v21 =	vadd.s32 s18, v0;
	s4 =	sadd.s32 $0x8, s4;
	v15 =	vand.u32 $0x7F, v24;
	v20 =	vor.u32 v5, v13;
	[tilespmem:v22+s24+$0x0] =	vst.idx.msk $0xffff, v23  }
0x157: {  	_ =	sdelay $0x3  }
0x158: {  	v9 =	vld.idx.msk [tilespmem:v9+s23+$0x0], $0xffff;
	v22 =	vadd.s32 s5, v0;
	v21 =	vand.u32 $0x7F, v21;
	v23 =	vor.u32 v5, v15  }
0x159: {  	v8 =	vld.idx.msk [tilespmem:v8+s23+$0x0], $0xffff;
	v7 =	vor.u32 v4, v7;
	v22 =	vand.u32 $0x7F, v22;
	v24 =	vor.u32 v5, v21  }
0x15a: {  	v18 =	vld.idx.msk [tilespmem:v18+s23+$0x0], $0xffff;
	v10 =	vor.u32 v4, v10;
	v5 =	vor.u32 v5, v22  }
0x15b: {  	[tilespmem:v12+s24+$0x0] =	vst.idx.msk $0xffff, v16;
	v58 =	vld.idx.msk [tilespmem:v19+s23+$0x0], $0xffff;
	v11 =	vor.u32 v4, v11  }
0x15c: {  	[tilespmem:v14+s24+$0x0] =	vst.idx.msk $0xffff, v17;
	v59 =	vld.idx.msk [tilespmem:v20+s23+$0x0], $0xffff;
	v13 =	vor.u32 v4, v13  }
0x15d: {  	v61 =	vor.u32 v4, v15;
	v60 =	vld.idx.msk [tilespmem:v23+s23+$0x0], $0xffff;
	[tilespmem:v6+s24+$0x0] =	vst.idx.msk $0xffff, v9  }
0x15e: {  	s3 =	sadd.s32 $0x1, s3;
	v63 =	vor.u32 v4, v21;
	[tilespmem:v7+s24+$0x0] =	vst.idx.msk $0xffff, v8;
	v62 =	vld.idx.msk [tilespmem:v24+s23+$0x0], $0xffff  }
0x15f: {  	p0 =	sne.s32 s3, $0x10;
	v4 =	vor.u32 v4, v22;
	[tilespmem:v10+s24+$0x0] =	vst.idx.msk $0xffff, v18;
	v5 =	vld.idx.msk [tilespmem:v5+s23+$0x0], $0xffff  }
.Ltmp9:
0x160: {  	[tilespmem:v11+s24+$0x0] =	vst.idx.msk $0xffff, v58;
	(pc) =	sbr.rel @p0 .LBB2_10-.Ltmp9, $4  }
0x161: {  	[tilespmem:v13+s24+$0x0] =	vst.idx.msk $0xffff, v59  }
0x162: {  	[tilespmem:v61+s24+$0x0] =	vst.idx.msk $0xffff, v60  }
0x163: {  	[tilespmem:v63+s24+$0x0] =	vst.idx.msk $0xffff, v62  }
0x164: {  	[tilespmem:v4+s24+$0x0] =	vst.idx.msk $0xffff, v5  }
.Ltmp10:
0x165: {  	(pc) =	sbr.rel .LBB2_14-.Ltmp10, $3  }
0x166: {  	_ =	sdelay $0x1  }
0x167: {  	s0 =	sadd.s32 s0, s14  }
0x168: {  	[hbm4b:s0+s6] =	stream.linear.scatter [tilespmem:s26], [sflag:$0x4], $0x8000, $0x38;
	[tilespmem:$0x12A80] =	vst v63  }
.LBB2_16:
0x169: {  	_ =	sfence.sel $0x180000  }
0x16a: {  	[bflag:$0x0] =	sbarrier.arrive $0xFFFF  }
0x16b: {  	_ =	strace $0x90000047  }
0x16c: {  	s0 =	stileid.u32;
	[bflag:$0x2] =	sbarrier.arrive $0xFFFF  }
0x16d: {  	p0 =	sne.s32 s0, $0x0;
	s0 =	rddreg [dreg:$0x5]  }
0x16e: {  	s0 =	sadd.s32 @!p0 $0x100000, s0  }
0x16f: {  	[sflag:s0] =	ssyncadd.tile.s32 @!p0 $0x1;
	_ =	shalt  }
.Lfunc_end2:
_tile_overlayer_lowered:
.L_overlay_start_2:
0x170: {  	(tag) =	ssettag $0x2  }
0x171: {  	s0 =	rddreg [dreg:$0x0];
	s2 =	stileid.u32  }
0x172: {  	s1 =	rddreg [dreg:$0x1];
	p0 =	sne.s32 s2, $0x0  }
0x173: {  	s3 =	rddreg [dreg:$0x2];
	[bflag:$0x3] =	sbarrier.arrive $0xFFFF;
	s2 =	simm.s32 @!p0 $0x1C05  }
0x174: {  	[timem:s3], [sflag:s2] =	dma.local @!p0 [hbm:s0], s1  }
0x175: {  	s0 =	simm.s32 @!p0 $0x5  }
0x176: {  	_ =	swait.ge @!p0 [sflag:s0], s1  }
0x177: {  	s1 =	ssub.s32 @!p0 $0x0, s1;
	[sflag:s0] =	ssyncset.done @!p0 $0x0  }
0x178: {  	[sflag:s0] =	ssyncadd.s32 @!p0 s1  }
0x179: {  	[bflag:$0x3] =	sbarrier.arrive $0xFFFF  }
0x17a: {  	_ =	shalt  }

</sc_bundles>
